<compile_context>
chip_gen: v7x
topology: tpu7x:2x2x1
jax: 0.10.2.dev20260603
libtpu: 0.0.44.dev20260713+nightly
codegen_flags: <defaults>
</compile_context>

<pallas_src>
import functools

import jax
import jax.numpy as jnp
from jax import lax
from jax.experimental import pallas as pl
from jax.experimental.pallas import tpu as pltpu
from jax.experimental.pallas import tpu_sc as plsc

N = 100000
D = 128
S = 512
NC = 2
NS = 16
NW = NC * NS
RPW = N // NW
C = 125
NCH = RPW // C
RPT = S // NS
VPR = D // 16
NBUF = 4


def _sc_body(x_hbm, b_hbm, out_hbm, idx_v, xb0, xb1, xb2, xb3, zbuf,
             acc_sh, fs0, fs1, fs2, fs3, ss0, ss1, ss2, ss3, zs, isem):
    c = lax.axis_index("c")
    s = lax.axis_index("s")
    wid = s * NC + c
    base = wid * RPW
    xb = [xb0, xb1, xb2, xb3]
    fs = [fs0, fs1, fs2, fs3]
    ss = [ss0, ss1, ss2, ss3]

    def _fetch(j, b):
        pltpu.async_copy(x_hbm.at[pl.ds(base + j * C, C)], xb[b], fs[b])

    def _fetch_wait(b):
        pltpu.make_async_copy(x_hbm.at[pl.ds(base, C)], xb[b], fs[b]).wait()

    def _scat(j, b):
        pltpu.async_copy(xb[b], acc_sh.at[idx_v.at[j]], ss[b], add=True)

    def _scat_wait(b):
        pltpu.make_async_copy(xb[b], acc_sh.at[idx_v.at[0]], ss[b]).wait()

    for b in range(NBUF):
        _fetch(b, b)
    pltpu.async_copy(b_hbm.at[pl.ds(wid * NCH, NCH)], idx_v, isem)

    zrow = jnp.zeros((16,), jnp.float32)

    def _zero_row(i, carry):
        for cc in range(VPR):
            zbuf[i, pl.ds(cc * 16, 16)] = zrow
        return carry

    lax.fori_loop(0, RPT, _zero_row, 0)
    pltpu.async_copy(zbuf, acc_sh.at[pl.ds(s * RPT, RPT)], zs)
    pltpu.make_async_copy(zbuf, acc_sh.at[pl.ds(s * RPT, RPT)], zs).wait()
    pltpu.make_async_copy(b_hbm.at[pl.ds(0, NCH)], idx_v, isem).wait()
    plsc.subcore_barrier()

    def _grp(g, carry):
        for b in range(NBUF):
            j = g * NBUF + b
            bf = (b + NBUF - 1) % NBUF

            @pl.when(jnp.logical_and(j >= 1, j + NBUF - 1 < NCH))
            def _():
                _scat_wait(bf)
                _fetch(j + NBUF - 1, bf)

            _fetch_wait(b)
            _scat(j, b)
        return carry

    lax.fori_loop(0, NCH // NBUF, _grp, 0)
    _fetch_wait(0)
    _scat(NCH - 1, 0)
    for b in [1, 2, 3, 0]:
        _scat_wait(b)
    plsc.subcore_barrier()

    pltpu.sync_copy(acc_sh.at[pl.ds(s * RPT, RPT)],
                    out_hbm.at[c, pl.ds(s * RPT, RPT)])


_sc_call = functools.partial(
    pl.kernel,
    out_type=jax.ShapeDtypeStruct((NC, S, D), jnp.float32),
    mesh=plsc.VectorSubcoreMesh(core_axis_name="c", subcore_axis_name="s"),
    scratch_types=[
        pltpu.VMEM((NCH, C), jnp.int32),
        pltpu.VMEM((C, D), jnp.float32),
        pltpu.VMEM((C, D), jnp.float32),
        pltpu.VMEM((C, D), jnp.float32),
        pltpu.VMEM((C, D), jnp.float32),
        pltpu.VMEM((RPT, D), jnp.float32),
        pltpu.VMEM_SHARED((S, D), jnp.float32),
        pltpu.SemaphoreType.DMA,
        pltpu.SemaphoreType.DMA,
        pltpu.SemaphoreType.DMA,
        pltpu.SemaphoreType.DMA,
        pltpu.SemaphoreType.DMA,
        pltpu.SemaphoreType.DMA,
        pltpu.SemaphoreType.DMA,
        pltpu.SemaphoreType.DMA,
        pltpu.SemaphoreType.DMA,
        pltpu.SemaphoreType.DMA,
    ],
    compiler_params=pltpu.CompilerParams(use_tc_tiling_on_sc=False),
)(_sc_body)


def _combine_body(p_ref, o_ref):
    o_ref[...] = p_ref[0] + p_ref[1]


def kernel(x, batch):
    b2 = batch.astype(jnp.int32).reshape(N // C, C)
    partials = _sc_call(x, b2)
    return pl.pallas_call(
        _combine_body,
        out_shape=jax.ShapeDtypeStruct((S, D), jnp.float32),
    )(partials)

# --- scband reference (transcript-rebuilt; emitter-appended) ---
"""Pipeline reference for scband-global-add-pool-31679678775982 (READ-ONLY COPY).

The authoritative reference and input builder live on the scoring server;
editing this copy changes nothing except your own understanding.
"""

import jax, jax.numpy as jnp
import numpy as np

NUM_SEGMENTS = 512

def setup_inputs(seed: int = 0) -> dict:
    key = jax.random.key(seed)
    k1, k2 = jax.random.split(key)
    x = jax.random.normal(k1, (100000, 128), dtype=jnp.float32)
    batch = jnp.sort(jax.random.randint(k2, (100000,), 0, NUM_SEGMENTS, dtype=jnp.int64))
    return {"x": x, "batch": batch}

def reference(x, batch):
    # global_add_pool: sum node features per graph id
    return jax.ops.segment_sum(x, batch, num_segments=NUM_SEGMENTS)

if __name__ == "__main__":
    import jax
    _d = setup_inputs()
    print(jax.jit(kernel)(*tuple(_d.values())))

</pallas_src>

<mosaic_0001>
#map = affine_map<(d0, d1) -> (0, 0)>
#map1 = affine_map<(d0, d1) -> (0, 0, 0)>
module attributes {stable_mosaic.version = 14 : i64} {
  func.func @_sc_body(%arg0: i32, %arg1: i32, %arg2: memref<100000x128xf32, #tpu.memory_space<hbm>>, %arg3: memref<800x125xi32, #tpu.memory_space<hbm>>, %arg4: memref<2x512x128xf32, #tpu.memory_space<hbm>>, %arg5: memref<25x125xi32, #tpu.memory_space<vmem>>, %arg6: memref<125x128xf32, #tpu.memory_space<vmem>>, %arg7: memref<125x128xf32, #tpu.memory_space<vmem>>, %arg8: memref<125x128xf32, #tpu.memory_space<vmem>>, %arg9: memref<125x128xf32, #tpu.memory_space<vmem>>, %arg10: memref<32x128xf32, #tpu.memory_space<vmem>>, %arg11: memref<512x128xf32, #tpu.memory_space<vmem_shared>>, %arg12: memref<!tpu.dma_semaphore, #tpu.memory_space<semaphore_mem>>, %arg13: memref<!tpu.dma_semaphore, #tpu.memory_space<semaphore_mem>>, %arg14: memref<!tpu.dma_semaphore, #tpu.memory_space<semaphore_mem>>, %arg15: memref<!tpu.dma_semaphore, #tpu.memory_space<semaphore_mem>>, %arg16: memref<!tpu.dma_semaphore, #tpu.memory_space<semaphore_mem>>, %arg17: memref<!tpu.dma_semaphore, #tpu.memory_space<semaphore_mem>>, %arg18: memref<!tpu.dma_semaphore, #tpu.memory_space<semaphore_mem>>, %arg19: memref<!tpu.dma_semaphore, #tpu.memory_space<semaphore_mem>>, %arg20: memref<!tpu.dma_semaphore, #tpu.memory_space<semaphore_mem>>, %arg21: memref<!tpu.dma_semaphore, #tpu.memory_space<semaphore_mem>>) attributes {dimension_semantics = [#tpu.dimension_semantics<core_parallel>, #tpu.dimension_semantics<subcore_parallel>], iteration_bounds = array<i64: 2, 16>, scalar_prefetch = 0 : i64, scratch_operands = 17 : i64, tpu.core_type = #tpu.core_type<sc_vector_subcore>, window_params = [{transform_indices = #map}, {transform_indices = #map}, {transform_indices = #map1}]} {
    %mul3A = arith.constant 2 : i32
    %mul3A_0 = arith.muli %arg1, %mul3A : i32
    %add3A = arith.addi %mul3A_0, %arg0 : i32
    %mul3A_1 = arith.constant 3125 : i32
    %mul3A_2 = arith.muli %add3A, %mul3A_1 : i32
    %add3A_3 = arith.constant 0 : i32
    %add3A_4 = arith.addi %mul3A_2, %add3A_3 : i32
    %dma_start3A = arith.constant 0 : i32
    %dma_start3A_5 = tpu.memref_slice %arg2[%add3A_4, %dma_start3A] : memref<100000x128xf32, #tpu.memory_space<hbm>> -> memref<125x128xf32, #tpu.memory_space<hbm>>
    %dma_start3A_6 = arith.constant 0 : i32
    %dma_start3A_7 = tpu.memref_slice %arg2[%add3A_4, %dma_start3A_6] : memref<100000x128xf32, #tpu.memory_space<hbm>> -> memref<125x128xf32, #tpu.memory_space<hbm>>
    tpu.enqueue_dma source(%dma_start3A_7 : memref<125x128xf32, #tpu.memory_space<hbm>>) target(%arg6 : memref<125x128xf32, #tpu.memory_space<vmem>>) target_semaphore(%arg12 : memref<!tpu.dma_semaphore, #tpu.memory_space<semaphore_mem>>)
    %add3A_8 = arith.constant 125 : i32
    %add3A_9 = arith.addi %mul3A_2, %add3A_8 : i32
    %dma_start3A_10 = arith.constant 0 : i32
    %dma_start3A_11 = tpu.memref_slice %arg2[%add3A_9, %dma_start3A_10] : memref<100000x128xf32, #tpu.memory_space<hbm>> -> memref<125x128xf32, #tpu.memory_space<hbm>>
    %dma_start3A_12 = arith.constant 0 : i32
    %dma_start3A_13 = tpu.memref_slice %arg2[%add3A_9, %dma_start3A_12] : memref<100000x128xf32, #tpu.memory_space<hbm>> -> memref<125x128xf32, #tpu.memory_space<hbm>>
    tpu.enqueue_dma source(%dma_start3A_13 : memref<125x128xf32, #tpu.memory_space<hbm>>) target(%arg7 : memref<125x128xf32, #tpu.memory_space<vmem>>) target_semaphore(%arg13 : memref<!tpu.dma_semaphore, #tpu.memory_space<semaphore_mem>>)
    %add3A_14 = arith.constant 250 : i32
    %add3A_15 = arith.addi %mul3A_2, %add3A_14 : i32
    %dma_start3A_16 = arith.constant 0 : i32
    %dma_start3A_17 = tpu.memref_slice %arg2[%add3A_15, %dma_start3A_16] : memref<100000x128xf32, #tpu.memory_space<hbm>> -> memref<125x128xf32, #tpu.memory_space<hbm>>
    %dma_start3A_18 = arith.constant 0 : i32
    %dma_start3A_19 = tpu.memref_slice %arg2[%add3A_15, %dma_start3A_18] : memref<100000x128xf32, #tpu.memory_space<hbm>> -> memref<125x128xf32, #tpu.memory_space<hbm>>
    tpu.enqueue_dma source(%dma_start3A_19 : memref<125x128xf32, #tpu.memory_space<hbm>>) target(%arg8 : memref<125x128xf32, #tpu.memory_space<vmem>>) target_semaphore(%arg14 : memref<!tpu.dma_semaphore, #tpu.memory_space<semaphore_mem>>)
    %add3A_20 = arith.constant 375 : i32
    %add3A_21 = arith.addi %mul3A_2, %add3A_20 : i32
    %dma_start3A_22 = arith.constant 0 : i32
    %dma_start3A_23 = tpu.memref_slice %arg2[%add3A_21, %dma_start3A_22] : memref<100000x128xf32, #tpu.memory_space<hbm>> -> memref<125x128xf32, #tpu.memory_space<hbm>>
    %dma_start3A_24 = arith.constant 0 : i32
    %dma_start3A_25 = tpu.memref_slice %arg2[%add3A_21, %dma_start3A_24] : memref<100000x128xf32, #tpu.memory_space<hbm>> -> memref<125x128xf32, #tpu.memory_space<hbm>>
    tpu.enqueue_dma source(%dma_start3A_25 : memref<125x128xf32, #tpu.memory_space<hbm>>) target(%arg9 : memref<125x128xf32, #tpu.memory_space<vmem>>) target_semaphore(%arg15 : memref<!tpu.dma_semaphore, #tpu.memory_space<semaphore_mem>>)
    %mul3A_26 = arith.constant 25 : i32
    %mul3A_27 = arith.muli %add3A, %mul3A_26 : i32
    %dma_start3A_28 = arith.constant 0 : i32
    %dma_start3A_29 = tpu.memref_slice %arg3[%mul3A_27, %dma_start3A_28] : memref<800x125xi32, #tpu.memory_space<hbm>> -> memref<25x125xi32, #tpu.memory_space<hbm>>
    %dma_start3A_30 = arith.constant 0 : i32
    %dma_start3A_31 = tpu.memref_slice %arg3[%mul3A_27, %dma_start3A_30] : memref<800x125xi32, #tpu.memory_space<hbm>> -> memref<25x125xi32, #tpu.memory_space<hbm>>
    tpu.enqueue_dma source(%dma_start3A_31 : memref<25x125xi32, #tpu.memory_space<hbm>>) target(%arg5 : memref<25x125xi32, #tpu.memory_space<vmem>>) target_semaphore(%arg21 : memref<!tpu.dma_semaphore, #tpu.memory_space<semaphore_mem>>)
    %broadcast_in_dim3A = arith.constant 0.000000e+00 : f32
    %broadcast_in_dim3A_32 = vector.broadcast %broadcast_in_dim3A : f32 to vector<16xf32>
    %scan3A = arith.constant 0 : i32
    %scan3A_33 = arith.constant 0 : i32
    %scan3A_34 = arith.constant 32 : i32
    %scan3A_35 = arith.addi %scan3A_33, %scan3A_34 : i32
    %scan3A_36 = arith.constant 1 : i32
    scf.for %scan3A_105 = %scan3A_33 to %scan3A_35 step %scan3A_36  : i32 {
      %swap3A = arith.index_cast %scan3A_105 : i32 to index
      %swap3A_106 = arith.constant 0 : index
      %swap3A_107 = tpu.vector_load %arg10[%swap3A, %swap3A_106] {strides = array<i32>} : memref<32x128xf32, #tpu.memory_space<vmem>>, vector<1x16xf32>,
      %swap3A_108 = vector.shape_cast %swap3A_107 : vector<1x16xf32> to vector<16xf32>
      %swap3A_109 = vector.shape_cast %broadcast_in_dim3A_32 : vector<16xf32> to vector<1x16xf32>
      tpu.vector_store %arg10[%swap3A, %swap3A_106], %swap3A_109 {strides = array<i32>} : memref<32x128xf32, #tpu.memory_space<vmem>>, vector<1x16xf32>,
      %swap3A_110 = arith.index_cast %scan3A_105 : i32 to index
      %swap3A_111 = arith.constant 16 : index
      %swap3A_112 = tpu.vector_load %arg10[%swap3A_110, %swap3A_111] {strides = array<i32>} : memref<32x128xf32, #tpu.memory_space<vmem>>, vector<1x16xf32>,
      %swap3A_113 = vector.shape_cast %swap3A_112 : vector<1x16xf32> to vector<16xf32>
      %swap3A_114 = vector.shape_cast %broadcast_in_dim3A_32 : vector<16xf32> to vector<1x16xf32>
      tpu.vector_store %arg10[%swap3A_110, %swap3A_111], %swap3A_114 {strides = array<i32>} : memref<32x128xf32, #tpu.memory_space<vmem>>, vector<1x16xf32>,
      %swap3A_115 = arith.index_cast %scan3A_105 : i32 to index
      %swap3A_116 = arith.constant 32 : index
      %swap3A_117 = tpu.vector_load %arg10[%swap3A_115, %swap3A_116] {strides = array<i32>} : memref<32x128xf32, #tpu.memory_space<vmem>>, vector<1x16xf32>,
      %swap3A_118 = vector.shape_cast %swap3A_117 : vector<1x16xf32> to vector<16xf32>
      %swap3A_119 = vector.shape_cast %broadcast_in_dim3A_32 : vector<16xf32> to vector<1x16xf32>
      tpu.vector_store %arg10[%swap3A_115, %swap3A_116], %swap3A_119 {strides = array<i32>} : memref<32x128xf32, #tpu.memory_space<vmem>>, vector<1x16xf32>,
      %swap3A_120 = arith.index_cast %scan3A_105 : i32 to index
      %swap3A_121 = arith.constant 48 : index
      %swap3A_122 = tpu.vector_load %arg10[%swap3A_120, %swap3A_121] {strides = array<i32>} : memref<32x128xf32, #tpu.memory_space<vmem>>, vector<1x16xf32>,
      %swap3A_123 = vector.shape_cast %swap3A_122 : vector<1x16xf32> to vector<16xf32>
      %swap3A_124 = vector.shape_cast %broadcast_in_dim3A_32 : vector<16xf32> to vector<1x16xf32>
      tpu.vector_store %arg10[%swap3A_120, %swap3A_121], %swap3A_124 {strides = array<i32>} : memref<32x128xf32, #tpu.memory_space<vmem>>, vector<1x16xf32>,
      %swap3A_125 = arith.index_cast %scan3A_105 : i32 to index
      %swap3A_126 = arith.constant 64 : index
      %swap3A_127 = tpu.vector_load %arg10[%swap3A_125, %swap3A_126] {strides = array<i32>} : memref<32x128xf32, #tpu.memory_space<vmem>>, vector<1x16xf32>,
      %swap3A_128 = vector.shape_cast %swap3A_127 : vector<1x16xf32> to vector<16xf32>
      %swap3A_129 = vector.shape_cast %broadcast_in_dim3A_32 : vector<16xf32> to vector<1x16xf32>
      tpu.vector_store %arg10[%swap3A_125, %swap3A_126], %swap3A_129 {strides = array<i32>} : memref<32x128xf32, #tpu.memory_space<vmem>>, vector<1x16xf32>,
      %swap3A_130 = arith.index_cast %scan3A_105 : i32 to index
      %swap3A_131 = arith.constant 80 : index
      %swap3A_132 = tpu.vector_load %arg10[%swap3A_130, %swap3A_131] {strides = array<i32>} : memref<32x128xf32, #tpu.memory_space<vmem>>, vector<1x16xf32>,
      %swap3A_133 = vector.shape_cast %swap3A_132 : vector<1x16xf32> to vector<16xf32>
      %swap3A_134 = vector.shape_cast %broadcast_in_dim3A_32 : vector<16xf32> to vector<1x16xf32>
      tpu.vector_store %arg10[%swap3A_130, %swap3A_131], %swap3A_134 {strides = array<i32>} : memref<32x128xf32, #tpu.memory_space<vmem>>, vector<1x16xf32>,
      %swap3A_135 = arith.index_cast %scan3A_105 : i32 to index
      %swap3A_136 = arith.constant 96 : index
      %swap3A_137 = tpu.vector_load %arg10[%swap3A_135, %swap3A_136] {strides = array<i32>} : memref<32x128xf32, #tpu.memory_space<vmem>>, vector<1x16xf32>,
      %swap3A_138 = vector.shape_cast %swap3A_137 : vector<1x16xf32> to vector<16xf32>
      %swap3A_139 = vector.shape_cast %broadcast_in_dim3A_32 : vector<16xf32> to vector<1x16xf32>
      tpu.vector_store %arg10[%swap3A_135, %swap3A_136], %swap3A_139 {strides = array<i32>} : memref<32x128xf32, #tpu.memory_space<vmem>>, vector<1x16xf32>,
      %swap3A_140 = arith.index_cast %scan3A_105 : i32 to index
      %swap3A_141 = arith.constant 112 : index
      %swap3A_142 = tpu.vector_load %arg10[%swap3A_140, %swap3A_141] {strides = array<i32>} : memref<32x128xf32, #tpu.memory_space<vmem>>, vector<1x16xf32>,
      %swap3A_143 = vector.shape_cast %swap3A_142 : vector<1x16xf32> to vector<16xf32>
      %swap3A_144 = vector.shape_cast %broadcast_in_dim3A_32 : vector<16xf32> to vector<1x16xf32>
      tpu.vector_store %arg10[%swap3A_140, %swap3A_141], %swap3A_144 {strides = array<i32>} : memref<32x128xf32, #tpu.memory_space<vmem>>, vector<1x16xf32>,
    }
    %scan3A_37 = arith.constant 32 : i32
    %mul3A_38 = arith.constant 32 : i32
    %mul3A_39 = arith.muli %arg1, %mul3A_38 : i32
    %dma_start3A_40 = arith.constant 0 : i32
    %dma_start3A_41 = tpu.memref_slice %arg11[%mul3A_39, %dma_start3A_40] : memref<512x128xf32, #tpu.memory_space<vmem_shared>> -> memref<32x128xf32, #tpu.memory_space<vmem_shared>>
    %dma_start3A_42 = arith.constant 0 : i32
    %dma_start3A_43 = tpu.memref_slice %arg11[%mul3A_39, %dma_start3A_42] : memref<512x128xf32, #tpu.memory_space<vmem_shared>> -> memref<32x128xf32, #tpu.memory_space<vmem_shared>>
    tpu.enqueue_dma source(%arg10 : memref<32x128xf32, #tpu.memory_space<vmem>>) target(%dma_start3A_43 : memref<32x128xf32, #tpu.memory_space<vmem_shared>>) target_semaphore(%arg20 : memref<!tpu.dma_semaphore, #tpu.memory_space<semaphore_mem>>)
    %mul3A_44 = arith.constant 32 : i32
    %mul3A_45 = arith.muli %arg1, %mul3A_44 : i32
    %dma_wait3A = arith.constant 0 : i32
    %dma_wait3A_46 = tpu.memref_slice %arg11[%mul3A_45, %dma_wait3A] : memref<512x128xf32, #tpu.memory_space<vmem_shared>> -> memref<32x128xf32, #tpu.memory_space<vmem_shared>>
    %dma_wait3A_47 = arith.constant 0 : i32
    %dma_wait3A_48 = tpu.memref_slice %arg11[%mul3A_45, %dma_wait3A_47] : memref<512x128xf32, #tpu.memory_space<vmem_shared>> -> memref<32x128xf32, #tpu.memory_space<vmem_shared>>
    tpu.wait_dma2 semaphore(%arg20 : memref<!tpu.dma_semaphore, #tpu.memory_space<semaphore_mem>>) src(%arg10 : memref<32x128xf32, #tpu.memory_space<vmem>>) dst(%dma_wait3A_48 : memref<32x128xf32, #tpu.memory_space<vmem_shared>>)
    %dma_wait3A_49 = arith.constant 0 : i32
    %dma_wait3A_50 = arith.constant 0 : i32
    %dma_wait3A_51 = tpu.memref_slice %arg3[%dma_wait3A_49, %dma_wait3A_50] : memref<800x125xi32, #tpu.memory_space<hbm>> -> memref<25x125xi32, #tpu.memory_space<hbm>>
    %dma_wait3A_52 = arith.constant 0 : i32
    %dma_wait3A_53 = arith.constant 0 : i32
    %dma_wait3A_54 = tpu.memref_slice %arg3[%dma_wait3A_52, %dma_wait3A_53] : memref<800x125xi32, #tpu.memory_space<hbm>> -> memref<25x125xi32, #tpu.memory_space<hbm>>
    tpu.wait_dma2 semaphore(%arg21 : memref<!tpu.dma_semaphore, #tpu.memory_space<semaphore_mem>>) src(%dma_wait3A_54 : memref<25x125xi32, #tpu.memory_space<hbm>>) dst(%arg5 : memref<25x125xi32, #tpu.memory_space<vmem>>)
    %barrier3A = arith.constant 0 : index
    tpu.barrier barrier_id(%barrier3A)
    %scan3A_55 = arith.constant 0 : i32
    %scan3A_56 = arith.constant 0 : i32
    %scan3A_57 = arith.constant 6 : i32
    %scan3A_58 = arith.addi %scan3A_56, %scan3A_57 : i32
    %scan3A_59 = arith.constant 1 : i32
    scf.for %scan3A_105 = %scan3A_56 to %scan3A_58 step %scan3A_59  : i32 {
      %mul3A_106 = arith.constant 4 : i32
      %mul3A_107 = arith.muli %scan3A_105, %mul3A_106 : i32
      %add3A_108 = arith.constant 0 : i32
      %add3A_109 = arith.addi %mul3A_107, %add3A_108 : i32
      %ge3A = arith.constant 1 : i32
      %ge3A_110 = arith.cmpi sge, %add3A_109, %ge3A : i32
      %add3A_111 = arith.constant 4 : i32
      %add3A_112 = arith.addi %add3A_109, %add3A_111 : i32
      %sub3A = arith.constant 1 : i32
      %sub3A_113 = arith.subi %add3A_112, %sub3A : i32
      %lt3A = arith.constant 25 : i32
      %lt3A_114 = arith.cmpi slt, %sub3A_113, %lt3A : i32
      %and3A = arith.andi %ge3A_110, %lt3A_114 : i1
      %convert_element_type3A = arith.extui %and3A : i1 to i32
      %cond3A = arith.constant 0 : i32
      %cond3A_115 = arith.cmpi ne, %convert_element_type3A, %cond3A : i32
      scf.if %cond3A_115 {
        %dma_wait3A_204 = arith.constant 0 : i32
        %dma_wait3A_205 = arith.constant 0 : i32
        %dma_wait3A_206 = tpu.memref_slice %arg5[%dma_wait3A_204, %dma_wait3A_205] : memref<25x125xi32, #tpu.memory_space<vmem>> -> memref<1x125xi32, #tpu.memory_space<vmem>>
        %dma_wait3A_207 = tpu.memref_squeeze %dma_wait3A_206 : memref<1x125xi32, #tpu.memory_space<vmem>> -> memref<125xi32, #tpu.memory_space<vmem>>
        %dma_wait3A_208 = arith.constant 0 : i32
        %dma_wait3A_209 = arith.constant 0 : i32
        %dma_wait3A_210 = tpu.memref_slice %arg11[%dma_wait3A_208, %dma_wait3A_209] : memref<512x128xf32, #tpu.memory_space<vmem_shared>> -> memref<512x128xf32, #tpu.memory_space<vmem_shared>>
        tpu.wait_indirect_dma semaphore(%arg19 : memref<!tpu.dma_semaphore, #tpu.memory_space<semaphore_mem>>) src(%arg9 : memref<125x128xf32, #tpu.memory_space<vmem>>) dst(%dma_wait3A_210 : memref<512x128xf32, #tpu.memory_space<vmem_shared>>)
        %add3A_211 = arith.constant 4 : i32
        %add3A_212 = arith.addi %add3A_109, %add3A_211 : i32
        %sub3A_213 = arith.constant 1 : i32
        %sub3A_214 = arith.subi %add3A_212, %sub3A_213 : i32
        %mul3A_215 = arith.constant 125 : i32
        %mul3A_216 = arith.muli %sub3A_214, %mul3A_215 : i32
        %add3A_217 = arith.addi %mul3A_2, %mul3A_216 : i32
        %dma_start3A_218 = arith.constant 0 : i32
        %dma_start3A_219 = tpu.memref_slice %arg2[%add3A_217, %dma_start3A_218] : memref<100000x128xf32, #tpu.memory_space<hbm>> -> memref<125x128xf32, #tpu.memory_space<hbm>>
        %dma_start3A_220 = arith.constant 0 : i32
        %dma_start3A_221 = tpu.memref_slice %arg2[%add3A_217, %dma_start3A_220] : memref<100000x128xf32, #tpu.memory_space<hbm>> -> memref<125x128xf32, #tpu.memory_space<hbm>>
        tpu.enqueue_dma source(%dma_start3A_221 : memref<125x128xf32, #tpu.memory_space<hbm>>) target(%arg9 : memref<125x128xf32, #tpu.memory_space<vmem>>) target_semaphore(%arg15 : memref<!tpu.dma_semaphore, #tpu.memory_space<semaphore_mem>>)
      } else {
      }
      %dma_wait3A_116 = arith.constant 0 : i32
      %dma_wait3A_117 = tpu.memref_slice %arg2[%mul3A_2, %dma_wait3A_116] : memref<100000x128xf32, #tpu.memory_space<hbm>> -> memref<125x128xf32, #tpu.memory_space<hbm>>
      %dma_wait3A_118 = arith.constant 0 : i32
      %dma_wait3A_119 = tpu.memref_slice %arg2[%mul3A_2, %dma_wait3A_118] : memref<100000x128xf32, #tpu.memory_space<hbm>> -> memref<125x128xf32, #tpu.memory_space<hbm>>
      tpu.wait_dma2 semaphore(%arg12 : memref<!tpu.dma_semaphore, #tpu.memory_space<semaphore_mem>>) src(%dma_wait3A_119 : memref<125x128xf32, #tpu.memory_space<hbm>>) dst(%arg6 : memref<125x128xf32, #tpu.memory_space<vmem>>)
      %dma_start3A_120 = arith.constant 0 : i32
      %dma_start3A_121 = tpu.memref_slice %arg5[%add3A_109, %dma_start3A_120] : memref<25x125xi32, #tpu.memory_space<vmem>> -> memref<1x125xi32, #tpu.memory_space<vmem>>
      %dma_start3A_122 = tpu.memref_squeeze %dma_start3A_121 : memref<1x125xi32, #tpu.memory_space<vmem>> -> memref<125xi32, #tpu.memory_space<vmem>>
      %dma_start3A_123 = arith.constant 0 : i32
      %dma_start3A_124 = arith.constant 0 : i32
      %dma_start3A_125 = tpu.memref_slice %arg11[%dma_start3A_123, %dma_start3A_124] : memref<512x128xf32, #tpu.memory_space<vmem_shared>> -> memref<512x128xf32, #tpu.memory_space<vmem_shared>>
      tpu.enqueue_indirect_dma source(%arg6 : memref<125x128xf32, #tpu.memory_space<vmem>>) target(%dma_start3A_125 : memref<512x128xf32, #tpu.memory_space<vmem_shared>>) offsets(%dma_start3A_122 : memref<125xi32, #tpu.memory_space<vmem>>) semaphore(%arg16 : memref<!tpu.dma_semaphore, #tpu.memory_space<semaphore_mem>>) {add = true}
      %mul3A_126 = arith.constant 4 : i32
      %mul3A_127 = arith.muli %scan3A_105, %mul3A_126 : i32
      %add3A_128 = arith.constant 1 : i32
      %add3A_129 = arith.addi %mul3A_127, %add3A_128 : i32
      %ge3A_130 = arith.constant 1 : i32
      %ge3A_131 = arith.cmpi sge, %add3A_129, %ge3A_130 : i32
      %add3A_132 = arith.constant 4 : i32
      %add3A_133 = arith.addi %add3A_129, %add3A_132 : i32
      %sub3A_134 = arith.constant 1 : i32
      %sub3A_135 = arith.subi %add3A_133, %sub3A_134 : i32
      %lt3A_136 = arith.constant 25 : i32
      %lt3A_137 = arith.cmpi slt, %sub3A_135, %lt3A_136 : i32
      %and3A_138 = arith.andi %ge3A_131, %lt3A_137 : i1
      %convert_element_type3A_139 = arith.extui %and3A_138 : i1 to i32
      %cond3A_140 = arith.constant 0 : i32
      %cond3A_141 = arith.cmpi ne, %convert_element_type3A_139, %cond3A_140 : i32
      scf.if %cond3A_141 {
        %dma_wait3A_204 = arith.constant 0 : i32
        %dma_wait3A_205 = arith.constant 0 : i32
        %dma_wait3A_206 = tpu.memref_slice %arg5[%dma_wait3A_204, %dma_wait3A_205] : memref<25x125xi32, #tpu.memory_space<vmem>> -> memref<1x125xi32, #tpu.memory_space<vmem>>
        %dma_wait3A_207 = tpu.memref_squeeze %dma_wait3A_206 : memref<1x125xi32, #tpu.memory_space<vmem>> -> memref<125xi32, #tpu.memory_space<vmem>>
        %dma_wait3A_208 = arith.constant 0 : i32
        %dma_wait3A_209 = arith.constant 0 : i32
        %dma_wait3A_210 = tpu.memref_slice %arg11[%dma_wait3A_208, %dma_wait3A_209] : memref<512x128xf32, #tpu.memory_space<vmem_shared>> -> memref<512x128xf32, #tpu.memory_space<vmem_shared>>
        tpu.wait_indirect_dma semaphore(%arg16 : memref<!tpu.dma_semaphore, #tpu.memory_space<semaphore_mem>>) src(%arg6 : memref<125x128xf32, #tpu.memory_space<vmem>>) dst(%dma_wait3A_210 : memref<512x128xf32, #tpu.memory_space<vmem_shared>>)
        %add3A_211 = arith.constant 4 : i32
        %add3A_212 = arith.addi %add3A_129, %add3A_211 : i32
        %sub3A_213 = arith.constant 1 : i32
        %sub3A_214 = arith.subi %add3A_212, %sub3A_213 : i32
        %mul3A_215 = arith.constant 125 : i32
        %mul3A_216 = arith.muli %sub3A_214, %mul3A_215 : i32
        %add3A_217 = arith.addi %mul3A_2, %mul3A_216 : i32
        %dma_start3A_218 = arith.constant 0 : i32
        %dma_start3A_219 = tpu.memref_slice %arg2[%add3A_217, %dma_start3A_218] : memref<100000x128xf32, #tpu.memory_space<hbm>> -> memref<125x128xf32, #tpu.memory_space<hbm>>
        %dma_start3A_220 = arith.constant 0 : i32
        %dma_start3A_221 = tpu.memref_slice %arg2[%add3A_217, %dma_start3A_220] : memref<100000x128xf32, #tpu.memory_space<hbm>> -> memref<125x128xf32, #tpu.memory_space<hbm>>
        tpu.enqueue_dma source(%dma_start3A_221 : memref<125x128xf32, #tpu.memory_space<hbm>>) target(%arg6 : memref<125x128xf32, #tpu.memory_space<vmem>>) target_semaphore(%arg12 : memref<!tpu.dma_semaphore, #tpu.memory_space<semaphore_mem>>)
      } else {
      }
      %dma_wait3A_142 = arith.constant 0 : i32
      %dma_wait3A_143 = tpu.memref_slice %arg2[%mul3A_2, %dma_wait3A_142] : memref<100000x128xf32, #tpu.memory_space<hbm>> -> memref<125x128xf32, #tpu.memory_space<hbm>>
      %dma_wait3A_144 = arith.constant 0 : i32
      %dma_wait3A_145 = tpu.memref_slice %arg2[%mul3A_2, %dma_wait3A_144] : memref<100000x128xf32, #tpu.memory_space<hbm>> -> memref<125x128xf32, #tpu.memory_space<hbm>>
      tpu.wait_dma2 semaphore(%arg13 : memref<!tpu.dma_semaphore, #tpu.memory_space<semaphore_mem>>) src(%dma_wait3A_145 : memref<125x128xf32, #tpu.memory_space<hbm>>) dst(%arg7 : memref<125x128xf32, #tpu.memory_space<vmem>>)
      %dma_start3A_146 = arith.constant 0 : i32
      %dma_start3A_147 = tpu.memref_slice %arg5[%add3A_129, %dma_start3A_146] : memref<25x125xi32, #tpu.memory_space<vmem>> -> memref<1x125xi32, #tpu.memory_space<vmem>>
      %dma_start3A_148 = tpu.memref_squeeze %dma_start3A_147 : memref<1x125xi32, #tpu.memory_space<vmem>> -> memref<125xi32, #tpu.memory_space<vmem>>
      %dma_start3A_149 = arith.constant 0 : i32
      %dma_start3A_150 = arith.constant 0 : i32
      %dma_start3A_151 = tpu.memref_slice %arg11[%dma_start3A_149, %dma_start3A_150] : memref<512x128xf32, #tpu.memory_space<vmem_shared>> -> memref<512x128xf32, #tpu.memory_space<vmem_shared>>
      tpu.enqueue_indirect_dma source(%arg7 : memref<125x128xf32, #tpu.memory_space<vmem>>) target(%dma_start3A_151 : memref<512x128xf32, #tpu.memory_space<vmem_shared>>) offsets(%dma_start3A_148 : memref<125xi32, #tpu.memory_space<vmem>>) semaphore(%arg17 : memref<!tpu.dma_semaphore, #tpu.memory_space<semaphore_mem>>) {add = true}
      %mul3A_152 = arith.constant 4 : i32
      %mul3A_153 = arith.muli %scan3A_105, %mul3A_152 : i32
      %add3A_154 = arith.constant 2 : i32
      %add3A_155 = arith.addi %mul3A_153, %add3A_154 : i32
      %ge3A_156 = arith.constant 1 : i32
      %ge3A_157 = arith.cmpi sge, %add3A_155, %ge3A_156 : i32
      %add3A_158 = arith.constant 4 : i32
      %add3A_159 = arith.addi %add3A_155, %add3A_158 : i32
      %sub3A_160 = arith.constant 1 : i32
      %sub3A_161 = arith.subi %add3A_159, %sub3A_160 : i32
      %lt3A_162 = arith.constant 25 : i32
      %lt3A_163 = arith.cmpi slt, %sub3A_161, %lt3A_162 : i32
      %and3A_164 = arith.andi %ge3A_157, %lt3A_163 : i1
      %convert_element_type3A_165 = arith.extui %and3A_164 : i1 to i32
      %cond3A_166 = arith.constant 0 : i32
      %cond3A_167 = arith.cmpi ne, %convert_element_type3A_165, %cond3A_166 : i32
      scf.if %cond3A_167 {
        %dma_wait3A_204 = arith.constant 0 : i32
        %dma_wait3A_205 = arith.constant 0 : i32
        %dma_wait3A_206 = tpu.memref_slice %arg5[%dma_wait3A_204, %dma_wait3A_205] : memref<25x125xi32, #tpu.memory_space<vmem>> -> memref<1x125xi32, #tpu.memory_space<vmem>>
        %dma_wait3A_207 = tpu.memref_squeeze %dma_wait3A_206 : memref<1x125xi32, #tpu.memory_space<vmem>> -> memref<125xi32, #tpu.memory_space<vmem>>
        %dma_wait3A_208 = arith.constant 0 : i32
        %dma_wait3A_209 = arith.constant 0 : i32
        %dma_wait3A_210 = tpu.memref_slice %arg11[%dma_wait3A_208, %dma_wait3A_209] : memref<512x128xf32, #tpu.memory_space<vmem_shared>> -> memref<512x128xf32, #tpu.memory_space<vmem_shared>>
        tpu.wait_indirect_dma semaphore(%arg17 : memref<!tpu.dma_semaphore, #tpu.memory_space<semaphore_mem>>) src(%arg7 : memref<125x128xf32, #tpu.memory_space<vmem>>) dst(%dma_wait3A_210 : memref<512x128xf32, #tpu.memory_space<vmem_shared>>)
        %add3A_211 = arith.constant 4 : i32
        %add3A_212 = arith.addi %add3A_155, %add3A_211 : i32
        %sub3A_213 = arith.constant 1 : i32
        %sub3A_214 = arith.subi %add3A_212, %sub3A_213 : i32
        %mul3A_215 = arith.constant 125 : i32
        %mul3A_216 = arith.muli %sub3A_214, %mul3A_215 : i32
        %add3A_217 = arith.addi %mul3A_2, %mul3A_216 : i32
        %dma_start3A_218 = arith.constant 0 : i32
        %dma_start3A_219 = tpu.memref_slice %arg2[%add3A_217, %dma_start3A_218] : memref<100000x128xf32, #tpu.memory_space<hbm>> -> memref<125x128xf32, #tpu.memory_space<hbm>>
        %dma_start3A_220 = arith.constant 0 : i32
        %dma_start3A_221 = tpu.memref_slice %arg2[%add3A_217, %dma_start3A_220] : memref<100000x128xf32, #tpu.memory_space<hbm>> -> memref<125x128xf32, #tpu.memory_space<hbm>>
        tpu.enqueue_dma source(%dma_start3A_221 : memref<125x128xf32, #tpu.memory_space<hbm>>) target(%arg7 : memref<125x128xf32, #tpu.memory_space<vmem>>) target_semaphore(%arg13 : memref<!tpu.dma_semaphore, #tpu.memory_space<semaphore_mem>>)
      } else {
      }
      %dma_wait3A_168 = arith.constant 0 : i32
      %dma_wait3A_169 = tpu.memref_slice %arg2[%mul3A_2, %dma_wait3A_168] : memref<100000x128xf32, #tpu.memory_space<hbm>> -> memref<125x128xf32, #tpu.memory_space<hbm>>
      %dma_wait3A_170 = arith.constant 0 : i32
      %dma_wait3A_171 = tpu.memref_slice %arg2[%mul3A_2, %dma_wait3A_170] : memref<100000x128xf32, #tpu.memory_space<hbm>> -> memref<125x128xf32, #tpu.memory_space<hbm>>
      tpu.wait_dma2 semaphore(%arg14 : memref<!tpu.dma_semaphore, #tpu.memory_space<semaphore_mem>>) src(%dma_wait3A_171 : memref<125x128xf32, #tpu.memory_space<hbm>>) dst(%arg8 : memref<125x128xf32, #tpu.memory_space<vmem>>)
      %dma_start3A_172 = arith.constant 0 : i32
      %dma_start3A_173 = tpu.memref_slice %arg5[%add3A_155, %dma_start3A_172] : memref<25x125xi32, #tpu.memory_space<vmem>> -> memref<1x125xi32, #tpu.memory_space<vmem>>
      %dma_start3A_174 = tpu.memref_squeeze %dma_start3A_173 : memref<1x125xi32, #tpu.memory_space<vmem>> -> memref<125xi32, #tpu.memory_space<vmem>>
      %dma_start3A_175 = arith.constant 0 : i32
      %dma_start3A_176 = arith.constant 0 : i32
      %dma_start3A_177 = tpu.memref_slice %arg11[%dma_start3A_175, %dma_start3A_176] : memref<512x128xf32, #tpu.memory_space<vmem_shared>> -> memref<512x128xf32, #tpu.memory_space<vmem_shared>>
      tpu.enqueue_indirect_dma source(%arg8 : memref<125x128xf32, #tpu.memory_space<vmem>>) target(%dma_start3A_177 : memref<512x128xf32, #tpu.memory_space<vmem_shared>>) offsets(%dma_start3A_174 : memref<125xi32, #tpu.memory_space<vmem>>) semaphore(%arg18 : memref<!tpu.dma_semaphore, #tpu.memory_space<semaphore_mem>>) {add = true}
      %mul3A_178 = arith.constant 4 : i32
      %mul3A_179 = arith.muli %scan3A_105, %mul3A_178 : i32
      %add3A_180 = arith.constant 3 : i32
      %add3A_181 = arith.addi %mul3A_179, %add3A_180 : i32
      %ge3A_182 = arith.constant 1 : i32
      %ge3A_183 = arith.cmpi sge, %add3A_181, %ge3A_182 : i32
      %add3A_184 = arith.constant 4 : i32
      %add3A_185 = arith.addi %add3A_181, %add3A_184 : i32
      %sub3A_186 = arith.constant 1 : i32
      %sub3A_187 = arith.subi %add3A_185, %sub3A_186 : i32
      %lt3A_188 = arith.constant 25 : i32
      %lt3A_189 = arith.cmpi slt, %sub3A_187, %lt3A_188 : i32
      %and3A_190 = arith.andi %ge3A_183, %lt3A_189 : i1
      %convert_element_type3A_191 = arith.extui %and3A_190 : i1 to i32
      %cond3A_192 = arith.constant 0 : i32
      %cond3A_193 = arith.cmpi ne, %convert_element_type3A_191, %cond3A_192 : i32
      scf.if %cond3A_193 {
        %dma_wait3A_204 = arith.constant 0 : i32
        %dma_wait3A_205 = arith.constant 0 : i32
        %dma_wait3A_206 = tpu.memref_slice %arg5[%dma_wait3A_204, %dma_wait3A_205] : memref<25x125xi32, #tpu.memory_space<vmem>> -> memref<1x125xi32, #tpu.memory_space<vmem>>
        %dma_wait3A_207 = tpu.memref_squeeze %dma_wait3A_206 : memref<1x125xi32, #tpu.memory_space<vmem>> -> memref<125xi32, #tpu.memory_space<vmem>>
        %dma_wait3A_208 = arith.constant 0 : i32
        %dma_wait3A_209 = arith.constant 0 : i32
        %dma_wait3A_210 = tpu.memref_slice %arg11[%dma_wait3A_208, %dma_wait3A_209] : memref<512x128xf32, #tpu.memory_space<vmem_shared>> -> memref<512x128xf32, #tpu.memory_space<vmem_shared>>
        tpu.wait_indirect_dma semaphore(%arg18 : memref<!tpu.dma_semaphore, #tpu.memory_space<semaphore_mem>>) src(%arg8 : memref<125x128xf32, #tpu.memory_space<vmem>>) dst(%dma_wait3A_210 : memref<512x128xf32, #tpu.memory_space<vmem_shared>>)
        %add3A_211 = arith.constant 4 : i32
        %add3A_212 = arith.addi %add3A_181, %add3A_211 : i32
        %sub3A_213 = arith.constant 1 : i32
        %sub3A_214 = arith.subi %add3A_212, %sub3A_213 : i32
        %mul3A_215 = arith.constant 125 : i32
        %mul3A_216 = arith.muli %sub3A_214, %mul3A_215 : i32
        %add3A_217 = arith.addi %mul3A_2, %mul3A_216 : i32
        %dma_start3A_218 = arith.constant 0 : i32
        %dma_start3A_219 = tpu.memref_slice %arg2[%add3A_217, %dma_start3A_218] : memref<100000x128xf32, #tpu.memory_space<hbm>> -> memref<125x128xf32, #tpu.memory_space<hbm>>
        %dma_start3A_220 = arith.constant 0 : i32
        %dma_start3A_221 = tpu.memref_slice %arg2[%add3A_217, %dma_start3A_220] : memref<100000x128xf32, #tpu.memory_space<hbm>> -> memref<125x128xf32, #tpu.memory_space<hbm>>
        tpu.enqueue_dma source(%dma_start3A_221 : memref<125x128xf32, #tpu.memory_space<hbm>>) target(%arg8 : memref<125x128xf32, #tpu.memory_space<vmem>>) target_semaphore(%arg14 : memref<!tpu.dma_semaphore, #tpu.memory_space<semaphore_mem>>)
      } else {
      }
      %dma_wait3A_194 = arith.constant 0 : i32
      %dma_wait3A_195 = tpu.memref_slice %arg2[%mul3A_2, %dma_wait3A_194] : memref<100000x128xf32, #tpu.memory_space<hbm>> -> memref<125x128xf32, #tpu.memory_space<hbm>>
      %dma_wait3A_196 = arith.constant 0 : i32
      %dma_wait3A_197 = tpu.memref_slice %arg2[%mul3A_2, %dma_wait3A_196] : memref<100000x128xf32, #tpu.memory_space<hbm>> -> memref<125x128xf32, #tpu.memory_space<hbm>>
      tpu.wait_dma2 semaphore(%arg15 : memref<!tpu.dma_semaphore, #tpu.memory_space<semaphore_mem>>) src(%dma_wait3A_197 : memref<125x128xf32, #tpu.memory_space<hbm>>) dst(%arg9 : memref<125x128xf32, #tpu.memory_space<vmem>>)
      %dma_start3A_198 = arith.constant 0 : i32
      %dma_start3A_199 = tpu.memref_slice %arg5[%add3A_181, %dma_start3A_198] : memref<25x125xi32, #tpu.memory_space<vmem>> -> memref<1x125xi32, #tpu.memory_space<vmem>>
      %dma_start3A_200 = tpu.memref_squeeze %dma_start3A_199 : memref<1x125xi32, #tpu.memory_space<vmem>> -> memref<125xi32, #tpu.memory_space<vmem>>
      %dma_start3A_201 = arith.constant 0 : i32
      %dma_start3A_202 = arith.constant 0 : i32
      %dma_start3A_203 = tpu.memref_slice %arg11[%dma_start3A_201, %dma_start3A_202] : memref<512x128xf32, #tpu.memory_space<vmem_shared>> -> memref<512x128xf32, #tpu.memory_space<vmem_shared>>
      tpu.enqueue_indirect_dma source(%arg9 : memref<125x128xf32, #tpu.memory_space<vmem>>) target(%dma_start3A_203 : memref<512x128xf32, #tpu.memory_space<vmem_shared>>) offsets(%dma_start3A_200 : memref<125xi32, #tpu.memory_space<vmem>>) semaphore(%arg19 : memref<!tpu.dma_semaphore, #tpu.memory_space<semaphore_mem>>) {add = true}
    }
    %scan3A_60 = arith.constant 6 : i32
    %dma_wait3A_61 = arith.constant 0 : i32
    %dma_wait3A_62 = tpu.memref_slice %arg2[%mul3A_2, %dma_wait3A_61] : memref<100000x128xf32, #tpu.memory_space<hbm>> -> memref<125x128xf32, #tpu.memory_space<hbm>>
    %dma_wait3A_63 = arith.constant 0 : i32
    %dma_wait3A_64 = tpu.memref_slice %arg2[%mul3A_2, %dma_wait3A_63] : memref<100000x128xf32, #tpu.memory_space<hbm>> -> memref<125x128xf32, #tpu.memory_space<hbm>>
    tpu.wait_dma2 semaphore(%arg12 : memref<!tpu.dma_semaphore, #tpu.memory_space<semaphore_mem>>) src(%dma_wait3A_64 : memref<125x128xf32, #tpu.memory_space<hbm>>) dst(%arg6 : memref<125x128xf32, #tpu.memory_space<vmem>>)
    %dma_start3A_65 = arith.constant 24 : i32
    %dma_start3A_66 = arith.constant 0 : i32
    %dma_start3A_67 = tpu.memref_slice %arg5[%dma_start3A_65, %dma_start3A_66] : memref<25x125xi32, #tpu.memory_space<vmem>> -> memref<1x125xi32, #tpu.memory_space<vmem>>
    %dma_start3A_68 = tpu.memref_squeeze %dma_start3A_67 : memref<1x125xi32, #tpu.memory_space<vmem>> -> memref<125xi32, #tpu.memory_space<vmem>>
    %dma_start3A_69 = arith.constant 0 : i32
    %dma_start3A_70 = arith.constant 0 : i32
    %dma_start3A_71 = tpu.memref_slice %arg11[%dma_start3A_69, %dma_start3A_70] : memref<512x128xf32, #tpu.memory_space<vmem_shared>> -> memref<512x128xf32, #tpu.memory_space<vmem_shared>>
    tpu.enqueue_indirect_dma source(%arg6 : memref<125x128xf32, #tpu.memory_space<vmem>>) target(%dma_start3A_71 : memref<512x128xf32, #tpu.memory_space<vmem_shared>>) offsets(%dma_start3A_68 : memref<125xi32, #tpu.memory_space<vmem>>) semaphore(%arg16 : memref<!tpu.dma_semaphore, #tpu.memory_space<semaphore_mem>>) {add = true}
    %dma_wait3A_72 = arith.constant 0 : i32
    %dma_wait3A_73 = arith.constant 0 : i32
    %dma_wait3A_74 = tpu.memref_slice %arg5[%dma_wait3A_72, %dma_wait3A_73] : memref<25x125xi32, #tpu.memory_space<vmem>> -> memref<1x125xi32, #tpu.memory_space<vmem>>
    %dma_wait3A_75 = tpu.memref_squeeze %dma_wait3A_74 : memref<1x125xi32, #tpu.memory_space<vmem>> -> memref<125xi32, #tpu.memory_space<vmem>>
    %dma_wait3A_76 = arith.constant 0 : i32
    %dma_wait3A_77 = arith.constant 0 : i32
    %dma_wait3A_78 = tpu.memref_slice %arg11[%dma_wait3A_76, %dma_wait3A_77] : memref<512x128xf32, #tpu.memory_space<vmem_shared>> -> memref<512x128xf32, #tpu.memory_space<vmem_shared>>
    tpu.wait_indirect_dma semaphore(%arg17 : memref<!tpu.dma_semaphore, #tpu.memory_space<semaphore_mem>>) src(%arg7 : memref<125x128xf32, #tpu.memory_space<vmem>>) dst(%dma_wait3A_78 : memref<512x128xf32, #tpu.memory_space<vmem_shared>>)
    %dma_wait3A_79 = arith.constant 0 : i32
    %dma_wait3A_80 = arith.constant 0 : i32
    %dma_wait3A_81 = tpu.memref_slice %arg5[%dma_wait3A_79, %dma_wait3A_80] : memref<25x125xi32, #tpu.memory_space<vmem>> -> memref<1x125xi32, #tpu.memory_space<vmem>>
    %dma_wait3A_82 = tpu.memref_squeeze %dma_wait3A_81 : memref<1x125xi32, #tpu.memory_space<vmem>> -> memref<125xi32, #tpu.memory_space<vmem>>
    %dma_wait3A_83 = arith.constant 0 : i32
    %dma_wait3A_84 = arith.constant 0 : i32
    %dma_wait3A_85 = tpu.memref_slice %arg11[%dma_wait3A_83, %dma_wait3A_84] : memref<512x128xf32, #tpu.memory_space<vmem_shared>> -> memref<512x128xf32, #tpu.memory_space<vmem_shared>>
    tpu.wait_indirect_dma semaphore(%arg18 : memref<!tpu.dma_semaphore, #tpu.memory_space<semaphore_mem>>) src(%arg8 : memref<125x128xf32, #tpu.memory_space<vmem>>) dst(%dma_wait3A_85 : memref<512x128xf32, #tpu.memory_space<vmem_shared>>)
    %dma_wait3A_86 = arith.constant 0 : i32
    %dma_wait3A_87 = arith.constant 0 : i32
    %dma_wait3A_88 = tpu.memref_slice %arg5[%dma_wait3A_86, %dma_wait3A_87] : memref<25x125xi32, #tpu.memory_space<vmem>> -> memref<1x125xi32, #tpu.memory_space<vmem>>
    %dma_wait3A_89 = tpu.memref_squeeze %dma_wait3A_88 : memref<1x125xi32, #tpu.memory_space<vmem>> -> memref<125xi32, #tpu.memory_space<vmem>>
    %dma_wait3A_90 = arith.constant 0 : i32
    %dma_wait3A_91 = arith.constant 0 : i32
    %dma_wait3A_92 = tpu.memref_slice %arg11[%dma_wait3A_90, %dma_wait3A_91] : memref<512x128xf32, #tpu.memory_space<vmem_shared>> -> memref<512x128xf32, #tpu.memory_space<vmem_shared>>
    tpu.wait_indirect_dma semaphore(%arg19 : memref<!tpu.dma_semaphore, #tpu.memory_space<semaphore_mem>>) src(%arg9 : memref<125x128xf32, #tpu.memory_space<vmem>>) dst(%dma_wait3A_92 : memref<512x128xf32, #tpu.memory_space<vmem_shared>>)
    %dma_wait3A_93 = arith.constant 0 : i32
    %dma_wait3A_94 = arith.constant 0 : i32
    %dma_wait3A_95 = tpu.memref_slice %arg5[%dma_wait3A_93, %dma_wait3A_94] : memref<25x125xi32, #tpu.memory_space<vmem>> -> memref<1x125xi32, #tpu.memory_space<vmem>>
    %dma_wait3A_96 = tpu.memref_squeeze %dma_wait3A_95 : memref<1x125xi32, #tpu.memory_space<vmem>> -> memref<125xi32, #tpu.memory_space<vmem>>
    %dma_wait3A_97 = arith.constant 0 : i32
    %dma_wait3A_98 = arith.constant 0 : i32
    %dma_wait3A_99 = tpu.memref_slice %arg11[%dma_wait3A_97, %dma_wait3A_98] : memref<512x128xf32, #tpu.memory_space<vmem_shared>> -> memref<512x128xf32, #tpu.memory_space<vmem_shared>>
    tpu.wait_indirect_dma semaphore(%arg16 : memref<!tpu.dma_semaphore, #tpu.memory_space<semaphore_mem>>) src(%arg6 : memref<125x128xf32, #tpu.memory_space<vmem>>) dst(%dma_wait3A_99 : memref<512x128xf32, #tpu.memory_space<vmem_shared>>)
    %barrier3A_100 = arith.constant 0 : index
    tpu.barrier barrier_id(%barrier3A_100)
    %mul3A_101 = arith.constant 32 : i32
    %mul3A_102 = arith.muli %arg1, %mul3A_101 : i32
    %mul3A_103 = arith.constant 32 : i32
    %mul3A_104 = arith.muli %arg1, %mul3A_103 : i32
    "tpu.region"() ({
      %run_scoped3A = tpu.sem_alloc : memref<!tpu.dma_semaphore, #tpu.memory_space<semaphore_mem>>
      %dma_start3A_105 = arith.constant 0 : i32
      %dma_start3A_106 = tpu.memref_slice %arg4[%arg0, %mul3A_104, %dma_start3A_105] : memref<2x512x128xf32, #tpu.memory_space<hbm>> -> memref<1x32x128xf32, #tpu.memory_space<hbm>>
      %dma_start3A_107 = tpu.memref_squeeze %dma_start3A_106 : memref<1x32x128xf32, #tpu.memory_space<hbm>> -> memref<32x128xf32, #tpu.memory_space<hbm>>
      %dma_start3A_108 = arith.constant 0 : i32
      %dma_start3A_109 = tpu.memref_slice %arg11[%mul3A_102, %dma_start3A_108] : memref<512x128xf32, #tpu.memory_space<vmem_shared>> -> memref<32x128xf32, #tpu.memory_space<vmem_shared>>
      tpu.enqueue_dma source(%dma_start3A_109 : memref<32x128xf32, #tpu.memory_space<vmem_shared>>) target(%dma_start3A_107 : memref<32x128xf32, #tpu.memory_space<hbm>>) target_semaphore(%run_scoped3A : memref<!tpu.dma_semaphore, #tpu.memory_space<semaphore_mem>>)
      %dma_wait3A_110 = arith.constant 0 : i32
      %dma_wait3A_111 = tpu.memref_slice %arg4[%arg0, %mul3A_104, %dma_wait3A_110] : memref<2x512x128xf32, #tpu.memory_space<hbm>> -> memref<1x32x128xf32, #tpu.memory_space<hbm>>
      %dma_wait3A_112 = tpu.memref_squeeze %dma_wait3A_111 : memref<1x32x128xf32, #tpu.memory_space<hbm>> -> memref<32x128xf32, #tpu.memory_space<hbm>>
      %dma_wait3A_113 = arith.constant 0 : i32
      %dma_wait3A_114 = tpu.memref_slice %arg11[%mul3A_102, %dma_wait3A_113] : memref<512x128xf32, #tpu.memory_space<vmem_shared>> -> memref<32x128xf32, #tpu.memory_space<vmem_shared>>
      tpu.wait_dma2 semaphore(%run_scoped3A : memref<!tpu.dma_semaphore, #tpu.memory_space<semaphore_mem>>) src(%dma_wait3A_114 : memref<32x128xf32, #tpu.memory_space<vmem_shared>>) dst(%dma_wait3A_112 : memref<32x128xf32, #tpu.memory_space<hbm>>)
      tpu.yield
    }) : () -> ()
    return
  }
}

module attributes {stable_mosaic.version = 14 : i64} {
  func.func @_combine_body(%arg0: memref<2x512x128xf32, #tpu.memory_space<vmem>>, %arg1: memref<512x128xf32, #tpu.memory_space<vmem>>) attributes {dimension_semantics = [], scalar_prefetch = 0 : i64, scratch_operands = 0 : i64, tpu.core_type = #tpu.core_type<tc>} {
    %get3A = arith.constant 0 : index
    %get3A_0 = arith.constant 0 : index
    %get3A_1 = arith.constant 0 : index
    %get3A_2 = vector.load %arg0[%get3A, %get3A_0, %get3A_1] : memref<2x512x128xf32, #tpu.memory_space<vmem>>, vector<1x512x128xf32>
    %get3A_3 = vector.shape_cast %get3A_2 : vector<1x512x128xf32> to vector<512x128xf32>
    %get3A_4 = arith.constant 1 : index
    %get3A_5 = arith.constant 0 : index
    %get3A_6 = arith.constant 0 : index
    %get3A_7 = vector.load %arg0[%get3A_4, %get3A_5, %get3A_6] : memref<2x512x128xf32, #tpu.memory_space<vmem>>, vector<1x512x128xf32>
    %get3A_8 = vector.shape_cast %get3A_7 : vector<1x512x128xf32> to vector<512x128xf32>
    %add3A = arith.addf %get3A_3, %get3A_8 : vector<512x128xf32>
    %swap3A = arith.constant 0 : index
    %swap3A_9 = arith.constant 0 : index
    %swap3A_10 = vector.load %arg1[%swap3A, %swap3A_9] : memref<512x128xf32, #tpu.memory_space<vmem>>, vector<512x128xf32>
    tpu.vector_store %arg1[%swap3A, %swap3A_9], %add3A {strides = array<i32>} : memref<512x128xf32, #tpu.memory_space<vmem>>, vector<512x128xf32>,
    return
  }
}

</mosaic_0001>

<sc_bundles>
// kernel: kernel.4.cloned.1.call-start
scs
__scs_entry_jumppad:
0x0: {  	(pc) =	sbr.rel $0x88, $3  }
0x1: {  	(tag) =	ssettag $0x0;
	lr =	simm.s32 $0x1  }
0x2: {  	[smem:$0x3F9F] =	sst lr;
	_ =	strace $0xD0000000  }
0x3: {  	_ = 	snop  }
0x4: {  	_ = 	snop  }
0x5: {  	_ = 	snop  }
0x6: {  	_ = 	snop  }
0x7: {  	_ = 	snop  }
__scs_overlays_trampoline_lowered:
0x8: {  	[smem:$0x3FAE] =	sst s0  }
0x9: {  	[smem:$0x3FAF] =	sst s1  }
0xa: {  	[smem:$0x3FB0] =	sst s2  }
0xb: {  	[smem:$0x3FB1] =	sst s3  }
0xc: {  	[smem:$0x3FB2] =	sst s4  }
0xd: {  	[smem:$0x3FB3] =	sst s5  }
0xe: {  	[smem:$0x3FB4] =	sst s6  }
0xf: {  	[smem:$0x3FB5] =	sst s7  }
0x10: {  	[smem:$0x3FB6] =	sst s8  }
0x11: {  	[smem:$0x3FB7] =	sst s9;
	s0 =	simm.s32 @!p0 $0x0  }
0x12: {  	s1 =	sld [smem:$0x3F9D];
	s0 =	simm.s32 @p0 $0x1  }
0x13: {  	[smem:$0x3FB8] =	sst s0;
	s0 =	simm.s32 @!p1 $0x0  }
0x14: {  	s2 =	sld [smem:$0x3F9C];
	s0 =	simm.s32 @p1 $0x1  }
0x15: {  	[smem:$0x3FB9] =	sst s0;
	s0 =	simm.s32 @!p2 $0x0  }
0x16: {  	s3 =	sld [smem:$0x3FDB];
	s0 =	simm.s32 @p2 $0x1  }
0x17: {  	s4 =	simm.s32 $0x1BF5;
	[smem:$0x3FBB] =	sst s0  }
0x18: {  	s0 =	sld [smem:$0x3F9E];
	_ =	swait.ge [sflag:s4], $0x0  }
0x19: {  	s7 =	sld [smem:$0x3F9F]  }
0x1a: {  	s8 =	sadd.s32 $0xFFFFE003, lr  }
0x1b: {  	s9 =	sadd.s32 $0xFFFFFEF7, lr;
	s5 =	simm.s32 $0xFFFFFFFF;
	p2 =	slt.u32 s8, $0xFFFFF086  }
0x1c: {  	p1 =	slt.u32 s9, $0xF7A;
	s5 =	simm.s32 @!p2 $0x0  }
0x1d: {  	s5 =	simm.s32 @p1 $0x1;
	p0 =	seq.s32 s7, s2  }
0x1e: {  	s7 =	smul.u32 @!p0 $0xF7A, s2;
	p2 =	seq.s32 @!p0 s5, $0x0  }
0x1f: {  	s9 =	smul.u32 $0xF7A, s1;
	s8 =	simm.s32 @!p0 $0x1BF5;
	p2 =	por !p2, p0  }
0x20: {  	[sflag:s8] =	ssyncset.s32 @!p0 $0xFFFFF086;
	s6 =	sadd.s32 @!p0 s3, s7;
	s7 =	simm.s32 @!p0 $0x108  }
0x21: {  	s3 =	sadd.s32 s3, s9;
	s6 =	sadd.s32 @!p0 $0x88, s6;
	s7 =	simm.s32 @p2 $0x1082  }
0x22: {  	[simem:s7], [sflag:s8] =	dma.local @!p0 [hbm:s6], $0xF7A  }
0x23: {  	s9 =	sor.u32 $0xD0000000, s2;
	s6 =	simm.s32 $0x108;
	_ =	swait.ge @!p0 [sflag:s8], $0x0  }
0x24: {  	s3 =	sadd.s32 $0x88, s3;
	s6 =	simm.s32 @!p1 $0x1082;
	[sflag:s4] =	ssyncset.s32 $0xFFFFF086  }
0x25: {  	[simem:s6], [sflag:s4] =	dma.local [hbm:s3], $0xF7A  }
0x26: {  	[smem:$0x3F9F] =	sst s1;
	(tag) =	ssettag s2;
	_ =	strace s9  }
0x27: {  	s1 =	sld [smem:$0x3FAF]  }
0x28: {  	s2 =	sld [smem:$0x3FB0]  }
0x29: {  	s4 =	sld [smem:$0x3FB2]  }
0x2a: {  	p0 =	seq.s32 s5, $0x0;
	s5 =	sld [smem:$0x3FB3]  }
0x2b: {  	s6 =	sld [smem:$0x3FB4]  }
0x2c: {  	s7 =	sld [smem:$0x3FB5]  }
0x2d: {  	s3 =	simm.s32 $0x108;
	s8 =	sld [smem:$0x3FB6]  }
0x2e: {  	s3 =	simm.s32 @!p0 $0x1082;
	s9 =	sld [smem:$0x3FB7]  }
0x2f: {  	lr =	sadd.s32 s0, s3;
	s0 =	sld [smem:$0x3FAE]  }
0x30: {  	s3 =	sld [smem:$0x3FB1]  }
0x31: {  	[smem:$0x3FBA] =	sst s10  }
0x32: {  	s10 =	sld [smem:$0x3FB8];
	_ =	sdelay $0x3  }
0x33: {  	p0 =	seq.s32 s10, $0x1;
	s10 =	sld [smem:$0x3FBA];
	_ =	sdelay $0x3  }
0x34: {  	[smem:$0x3FBA] =	sst s10  }
0x35: {  	s10 =	sld [smem:$0x3FB9];
	_ =	sdelay $0x3  }
0x36: {  	p1 =	seq.s32 s10, $0x1;
	s10 =	sld [smem:$0x3FBA];
	_ =	sdelay $0x3  }
0x37: {  	[smem:$0x3FBA] =	sst s10  }
0x38: {  	s10 =	sld [smem:$0x3FBB]  }
0x39: {  	_ = 	snop;
	(pc) =	sbr.ind lr, $3  }
0x3a: {  	_ = 	snop  }
0x3b: {  	_ = 	snop  }
0x3c: {  	p2 =	seq.s32 s10, $0x1;
	s10 =	sld [smem:$0x3FBA]  }
0x3d: {  	_ =	shalt  }
0x3e: {  	_ =	shalt  }
0x3f: {  	_ =	shalt  }
0x40: {  	_ =	shalt  }
0x41: {  	_ =	shalt  }
0x42: {  	_ =	shalt  }
0x43: {  	_ =	shalt  }
0x44: {  	_ =	shalt  }
0x45: {  	_ =	shalt  }
0x46: {  	_ =	shalt  }
0x47: {  	_ =	shalt  }
0x48: {  	_ =	shalt  }
0x49: {  	_ =	shalt  }
0x4a: {  	_ =	shalt  }
0x4b: {  	_ =	shalt  }
0x4c: {  	_ =	shalt  }
0x4d: {  	_ =	shalt  }
0x4e: {  	_ =	shalt  }
0x4f: {  	_ =	shalt  }
0x50: {  	_ =	shalt  }
0x51: {  	_ =	shalt  }
0x52: {  	_ =	shalt  }
0x53: {  	_ =	shalt  }
0x54: {  	_ =	shalt  }
0x55: {  	_ =	shalt  }
0x56: {  	_ =	shalt  }
0x57: {  	_ =	shalt  }
0x58: {  	_ =	shalt  }
0x59: {  	_ =	shalt  }
0x5a: {  	_ =	shalt  }
0x5b: {  	_ =	shalt  }
0x5c: {  	_ =	shalt  }
0x5d: {  	_ =	shalt  }
0x5e: {  	_ =	shalt  }
0x5f: {  	_ =	shalt  }
0x60: {  	_ =	shalt  }
0x61: {  	_ =	shalt  }
0x62: {  	_ =	shalt  }
0x63: {  	_ =	shalt  }
0x64: {  	_ =	shalt  }
0x65: {  	_ =	shalt  }
0x66: {  	_ =	shalt  }
0x67: {  	_ =	shalt  }
0x68: {  	_ =	shalt  }
0x69: {  	_ =	shalt  }
0x6a: {  	_ =	shalt  }
0x6b: {  	_ =	shalt  }
0x6c: {  	_ =	shalt  }
0x6d: {  	_ =	shalt  }
0x6e: {  	_ =	shalt  }
0x6f: {  	_ =	shalt  }
0x70: {  	_ =	shalt  }
0x71: {  	_ =	shalt  }
0x72: {  	_ =	shalt  }
0x73: {  	_ =	shalt  }
0x74: {  	_ =	shalt  }
0x75: {  	_ =	shalt  }
0x76: {  	_ =	shalt  }
0x77: {  	_ =	shalt  }
0x78: {  	_ =	shalt  }
0x79: {  	_ =	shalt  }
0x7a: {  	_ =	shalt  }
0x7b: {  	_ =	shalt  }
0x7c: {  	_ =	shalt  }
0x7d: {  	_ =	shalt  }
0x7e: {  	_ =	shalt  }
0x7f: {  	_ =	shalt  }
0x80: {  	_ =	shalt  }
0x81: {  	_ =	shalt  }
0x82: {  	_ =	shalt  }
0x83: {  	_ =	shalt  }
0x84: {  	_ =	shalt  }
0x85: {  	_ =	shalt  }
0x86: {  	_ =	shalt  }
0x87: {  	_ =	shalt  }
.Lfunc_end0:
.L_simem_size_0:
called_computation_lowered:
.L_overlay_start_0:
0x88: {  	s2 =	sld [smem:$0x3FD9]  }
0x89: {  	s3 =	sld [smem:$0x3FFE];
	_ =	sdelay $0x1  }
0x8a: {  	s1 =	srdreg.scid  }
0x8b: {  	s0 =	sand.u32 $0x1, s1  }
0x8c: {  	s17 =	sshll.u32 s0, $0xA;
	s2 =	sadd.s32 s3, s2  }
0x8d: {  	s2 =	sadd.s32 s2, s17  }
0x8e: {  	[smem:$0x3FC6] =	sst s2  }
0x8f: {  	_ = 	snop  }
0x90: {  	s2 =	sld [smem:$0x3FC9];
	(tm) =	ssettm $0x1  }
0x91: {  	s18 =	sld [smem:$0x3FFB];
	_ =	sdelay $0x3  }
0x92: {  	_ =	strace s18  }
0x93: {  	s3 =	sld [smem:$0x3FFC];
	_ =	sdelay $0x3  }
0x94: {  	_ =	strace s3  }
0x95: {  	s3 =	sld [smem:$0x3FFD];
	_ =	sdelay $0x3  }
0x96: {  	_ =	strace s3  }
0x97: {  	_ =	strace $0x8FFFFFFF  }
0x98: {  	s19 =	sld [smem:$0x3FDB];
	_ =	sdelay $0x1  }
0x99: {  	s4 =	simm.s32 $_scs_section_size  }
0x9a: {  	s5 =	simm.s32 $_size__tile_overlayer_lowered;
	s6 =	simm.s32 $_tile_overlayer_lowered  }
0x9b: {  	s22 =	simm.s32 $0x1BFF;
	s21 =	sshll.u32 s6, $0x1;
	s3 =	sadd.s32 s4, s19  }
0x9c: {  	s7 =	simm.s32 $0x0;
	s20 =	sshll.u32 s5, $0x1;
	s5 =	sadd.s32 s21, s3  }
0x9d: {  	[timem:s7], [sflag:s22] =	dma.local [hbm:s5], s20  }
0x9e: {  	_ =	swait.ge [sflag:s22], s20  }
0x9f: {  	s4 =	ssub.s32 $0x0, s20;
	[sflag:s22] =	ssyncset.done $0x0  }
0xa0: {  	[sflag:s22] =	ssyncadd.s32 s4;
	_ =	sdelay $0x1  }
0xa1: {  	s23 =	simm.s32 $0x1B8B  }
0xa2: {  	_ =	swait.ge [sflag:s23], $0x1  }
0xa3: {  	[sflag:s23] =	ssyncset.done $0x0  }
0xa4: {  	s25 =	simm.s32 $0x1B8E;
	s24 =	sld [smem:$0x3FFE];
	[sflag:s23] =	ssyncadd.s32 $0xFFFFFFFF  }
0xa5: {  	s26 =	simm.s32 $execute0_lowered;
	[smem:$0x3FD2] =	sst s25  }
0xa6: {  	s5 =	sshll.u32 s26, $0x1;
	_ =	strace $0x80000046;
	[dreg:$0x1] =	wrdreg $0xFFFFFFFF  }
0xa7: {  	s28 =	simm.s32 $_size_execute0_lowered;
	s3 =	sadd.s32 s3, s5;
	[dreg:$0x0] =	wrdreg $0x0  }
0xa8: {  	s5 =	sshll.u32 s28, $0x1;
	[dreg:$0x2] =	wrdreg s3  }
0xa9: {  	[dreg:$0x3] =	wrdreg s5  }
0xaa: {  	[dreg:$0x4] =	wrdreg $0xC0  }
0xab: {  	_ =	task [dreg:s7], $0x5FFFF  }
0xac: {  	[dreg:$0x1] =	wrdreg $0xFFFFFFFF  }
0xad: {  	[dreg:$0x0] =	wrdreg $0x60  }
0xae: {  	[dreg:$0x2] =	wrdreg s2  }
0xaf: {  	[dreg:$0x3] =	wrdreg s24  }
0xb0: {  	[dreg:$0x4] =	wrdreg $0x116800  }
0xb1: {  	[dreg:$0x5] =	wrdreg $0x9  }
0xb2: {  	_ =	task.clear_ibuf [dreg:s7], $0x6FFFF;
	_ =	strace $0x90000046  }
0xb3: {  	s29 =	simm.s32 $0x9;
	_ =	strace $0x80000048  }
0xb4: {  	_ =	swait.ge [sflag:s29], $0x1  }
0xb5: {  	[sflag:s29] =	ssyncadd.s32 $0xFFFFFFFF  }
0xb6: {  	_ =	strace $0x90000048  }
0xb7: {  	_ =	sfence  }
0xb8: {  	s30 =	sld [smem:$0x0];
	_ =	sdelay $0x2  }
0xb9: {  	s31 =	sshll.u32 s1, $0xD;
	s1 =	sshrl.u32 s1, $0x2  }
0xba: {  	s3 =	sand.u32 $0x4000, s31;
	s1 =	sadd.s32 s1, s30  }
0xbb: {  	s0 =	sor.u32 s3, s0;
	s1 =	sshll.u32 s1, $0x11  }
0xbc: {  	s0 =	sor.u32 s1, s0  }
0xbd: {  	s0 =	sadd.s32 $0x8F2B, s0  }
0xbe: {  	[sflag:s0] =	ssyncadd.remote.s32 $0x1  }
0xbf: {  	_ =	sfence.sel $0xFFFF  }
0xc0: {  	[dreg:$0x0] =	wrdreg $0xFFFFFFFF;
	(pc) =	sbr.abs _section_cstart, $3  }
0xc1: {  	[dreg:$0x1] =	wrdreg $0xFFFFFFFF  }
0xc2: {  	_ =	task.clear_ibuf [dreg:s7], $0x2FFFF;
	_ =	strace $0x9FFFFFFF  }
0xc3: {  	(tm) =	ssettm $0x7FFFFFFF  }
tec
execute0_lowered:
.L_overlay_start_1:
0x0: {  	(tag) =	ssettag $0x1  }
0x1: {  	s0 =	rddreg [dreg:$0x0]  }
0x2: {  	s1 =	rddreg [dreg:$0x1]  }
0x3: {  	s2 =	rddreg [dreg:$0x2]  }
0x4: {  	s4 =	srdreg.scid;
	s11 =	stileid.u32  }
0x5: {  	s3 =	simm.s32 $0x0;
	s16 =	simm.s32 $0xC80;
	s17 =	simm.s32 $0x4B00  }
0x6: {  	s19 =	simm.s32 $0xC800;
	s23 =	simm.s32 $0x1;
	s24 =	simm.s32 $0x7D  }
0x7: {  	s28 =	simm.s32 $0x4;
	s4 =	sand.u32 $0x1, s4;
	s5 =	sshll.u32 s11, $0x1  }
0x8: {  	s7 =	sshll.u32 s11, $0xC;
	s11 =	smul.u32 $0x186A, s11;
	s5 =	sor.u32 s4, s5  }
0x9: {  	s8 =	sshll.u32 s4, $0x10;
	s10 =	ssub.s32 $0x2, s4;
	s4 =	smul.u32 $0xC35, s4  }
0xa: {  	s18 =	simm.s32 $0x0;
	[smem:$0x7FF] =	sst s3;
	s6 =	smul.u32 $0x190, s5  }
0xb: {  	_ =	strace $0x80000047;
	s9 =	smul.u32 $0xC350, s5;
	s8 =	sor.u32 s7, s8  }
0xc: {  	s5 =	smul.u32 $0x61A80, s5;
	s12 =	sshrl.u32 s10, $0x1;
	s8 =	sshrl.u32 s8, $0x3  }
0xd: {  	s25 =	ssub.s32 s10, s12;
	s4 =	sadd.s32 s4, s11;
	s6 =	sadd.s32 s6, s1  }
0xe: {  	s5 =	sshrl.u32 s5, $0x3;
	s1 =	sadd.s32 s8, s1;
	s9 =	sadd.s32 s0, s9  }
0xf: {  	s4 =	sshll.u32 s4, $0x4;
	s31 =	smax.u32 s25, $0x1;
	s25 =	simm.s32 $0x5  }
0x10: {  	s5 =	sadd.s32 s0, s5;
	[dreg:$0x4] =	wrdreg s9;
	s30 =	sadd.s32 $0x600, s6  }
0x11: {  	s9 =	sadd.s32 s7, s2;
	s0 =	sadd.s32 s4, s0;
	[dreg:$0xa] =	wrdreg s31  }
0x12: {  	s1 =	sadd.s32 $0x3800, s1;
	s26 =	sadd.s32 $0x7D0, s5;
	[dreg:$0x8] =	wrdreg s30  }
0x13: {  	s29 =	sadd.s32 $0xFA0, s5;
	s5 =	sadd.s32 $0x1770, s5;
	[dreg:$0x9] =	wrdreg s1  }
0x14: {  	s12 =	sadd.s32 $0x1770, s0;
	s13 =	sadd.s32 $0x2EE0, s0;
	[dreg:$0x5] =	wrdreg s26  }
0x15: {  	s14 =	sadd.s32 $0x2710, s0;
	s15 =	sadd.s32 $0x1F40, s0;
	[dreg:$0x6] =	wrdreg s29  }
0x16: {  	v0 =	vimm.f32 $0.0e+00;
	s1 =	simm.s32 $0xB;
	[dreg:$0x7] =	wrdreg s5;
	s26 =	simm.s32 $0x2  }
.LBB2_1:
0x17: {  	s0 =	rddreg [dreg:$0x4]  }
0x18: {  	[tilespmem:s16], [sflag:$0x1] =	stream.linear.gather [hbm4b:s0+s3], $0x3E80, $0x38;
	[tilespmem:$0x12680] =	vst v63  }
0x19: {  	s22 =	rddreg [dreg:$0x5]  }
0x1a: {  	[tilespmem:s17], [sflag:$0x2] =	stream.linear.gather [hbm4b:s22+s3], $0x3E80, $0x38;
	[tilespmem:$0x12680] =	vst v63  }
0x1b: {  	s29 =	rddreg [dreg:$0x6];
	s4 =	simm.s32 $0x8980  }
0x1c: {  	[tilespmem:s4], [sflag:$0x3] =	stream.linear.gather [hbm4b:s29+s3], $0x3E80, $0x38;
	[tilespmem:$0x12680] =	vst v63  }
0x1d: {  	s30 =	rddreg [dreg:$0x7]  }
0x1e: {  	[tilespmem:s19], [sflag:$0x4] =	stream.linear.gather [hbm4b:s30+s3], $0x3E80, $0x38;
	[tilespmem:$0x12680] =	vst v63  }
0x1f: {  	s31 =	rddreg [dreg:$0x8];
	s5 =	simm.s32 $0x200;
	s4 =	simm.s32 $0x0  }
0x20: {  	[tilespmem:s3], [sflag:$0xA] =	stream.linear.gather [hbm4b:s31+s3], $0xC80, $0x38;
	[tilespmem:$0x12680] =	vst v63  }
.LBB2_2:
0x21: {  	p0 =	sne.s32 s5, $0x3E00;
	[tilespmem:s4+$0x106F0] =	vst v0  }
0x22: {  	[tilespmem:s4+$0x10680] =	vst v0  }
0x23: {  	[tilespmem:s4+$0x10690] =	vst v0  }
.Ltmp0:
0x24: {  	[tilespmem:s4+$0x106A0] =	vst v0;
	(pc) =	sbr.rel @p0 .LBB2_2-.Ltmp0, $4  }
0x25: {  	[tilespmem:s4+$0x106B0] =	vst v0  }
0x26: {  	[tilespmem:s4+$0x106C0] =	vst v0  }
0x27: {  	[tilespmem:s4+$0x106D0] =	vst v0  }
0x28: {  	[tilespmem:s4+$0x106E0] =	vst v0;
	s4 =	sshra.s32 s5, $0x2;
	s5 =	sadd.s32 $0x200, s5  }
0x29: {  	[tilespmem:s4+$0x106F0] =	vst v0  }
0x2a: {  	[tilespmem:s4+$0x10680] =	vst v0  }
0x2b: {  	[tilespmem:s4+$0x10690] =	vst v0  }
0x2c: {  	[tilespmem:s4+$0x106A0] =	vst v0  }
0x2d: {  	[tilespmem:s4+$0x106B0] =	vst v0  }
0x2e: {  	[tilespmem:s4+$0x106C0] =	vst v0  }
0x2f: {  	[tilespmem:s4+$0x106D0] =	vst v0  }
0x30: {  	[tilespmem:s4+$0x106E0] =	vst v0;
	s0 =	simm.s32 $0x10680;
	s21 =	simm.s32 $0x9  }
0x31: {  	[spmem:s9] =	stream.linear.scatter [tilespmem:s0], [sflag:$0x9], $0x1000, $0x38;
	[tilespmem:$0x12680] =	vst v63  }
0x32: {  	_ =	swait.ge [sflag:s21], $0x1000  }
0x33: {  	[sflag:s21] =	ssyncset.done $0x0  }
0x34: {  	s22 =	simm.s32 $0xA;
	[sflag:s21] =	ssyncadd.s32 $0xFFFFF000  }
0x35: {  	_ =	swait.ge [sflag:s22], $0xC80  }
0x36: {  	[sflag:s22] =	ssyncset.done $0x0  }
0x37: {  	p0 =	por $0x1, $0x1;
	[sflag:s22] =	ssyncadd.s32 $0xFFFFF380  }
0x38: {  	s4 =	simm.s32 @!p0 $0x8;
	[bflag:$0x0] =	sbarrier.arrive $0xFFFF  }
0x39: {  	_ =	swait.ge @!p0 [sflag:s4], $0x3E80  }
0x3a: {  	[sflag:s4] =	ssyncset.done @!p0 $0x0  }
0x3b: {  	s5 =	simm.s32 @!p0 $0x0;
	s6 =	simm.s32 @!p0 $0xC800;
	[sflag:s4] =	ssyncadd.s32 @!p0 $0xFFFFC180  }
0x3c: {  	[tilespmem:s6], [sflag:$0x4] =	stream.linear.gather @!p0 [hbm4b:s12+s5], $0x3E80, $0x38;
	[tilespmem:$0x12680] =	vst v63  }
0x3d: {  	_ =	swait.ge [sflag:s23], $0x3E80  }
0x3e: {  	[sflag:s23] =	ssyncset.done $0x0  }
0x3f: {  	s30 =	simm.s32 $0x0;
	[sflag:s23] =	ssyncadd.s32 $0xFFFFC180  }
0x40: {  	[spmem:s2] =	stream.indirect.scatter.add.f32 [tilespmem:s16], [sflag:$0x5], $0x80, s30, s24, $0xb8;
	[tilespmem:$0x12680] =	vst v63  }
0x41: {  	_ =	swait.ge [sflag:s25], $0x3E80  }
0x42: {  	[sflag:s25] =	ssyncset.done $0x0  }
0x43: {  	[sflag:s25] =	ssyncadd.s32 $0xFFFFC180  }
0x44: {  	[tilespmem:s16], [sflag:$0x1] =	stream.linear.gather [hbm4b:s15+s3], $0x3E80, $0x38;
	[tilespmem:$0x12680] =	vst v63  }
0x45: {  	_ =	swait.ge [sflag:s26], $0x3E80  }
0x46: {  	p0 =	por $0x0, $0x0;
	[sflag:s26] =	ssyncset.done $0x0  }
0x47: {  	s31 =	simm.s32 $0x80;
	s5 =	simm.s32 @p0 $0x3;
	[sflag:s26] =	ssyncadd.s32 $0xFFFFC180  }
0x48: {  	[spmem:s2] =	stream.indirect.scatter.add.f32 [tilespmem:s17], [sflag:$0x6], $0x80, s31, s24, $0xb8;
	[tilespmem:$0x12680] =	vst v63  }
0x49: {  	_ =	swait.ge @p0 [sflag:s5], $0x3E80  }
0x4a: {  	s4 =	simm.s32 @p0 $0x100;
	s6 =	simm.s32 @p0 $0x7D;
	[sflag:s5] =	ssyncset.done @p0 $0x0  }
0x4b: {  	s7 =	simm.s32 @p0 $0x8980;
	[sflag:s5] =	ssyncadd.s32 @p0 $0xFFFFC180;
	s5 =	simm.s32 @!p0 $0x6  }
0x4c: {  	[spmem:s2] =	stream.indirect.scatter.add.f32 @p0 [tilespmem:s7], [sflag:$0x7], $0x80, s4, s6, $0xb8;
	[tilespmem:$0x12680] =	vst v63  }
0x4d: {  	_ =	swait.ge @!p0 [sflag:s5], $0x3E80  }
0x4e: {  	s6 =	simm.s32 @!p0 $0x0;
	[sflag:s5] =	ssyncset.done @!p0 $0x0  }
0x4f: {  	s4 =	simm.s32 @!p0 $0x4B00;
	[sflag:s5] =	ssyncadd.s32 @!p0 $0xFFFFC180;
	s5 =	simm.s32 @!p0 $0x3  }
0x50: {  	[tilespmem:s4], [sflag:$0x2] =	stream.linear.gather @!p0 [hbm4b:s14+s6], $0x3E80, $0x38;
	[tilespmem:$0x12680] =	vst v63  }
0x51: {  	_ =	swait.ge @!p0 [sflag:s5], $0x3E80  }
0x52: {  	s10 =	simm.s32 @!p0 $0x8980;
	s7 =	simm.s32 @!p0 $0x7D;
	[sflag:s5] =	ssyncset.done @!p0 $0x0  }
0x53: {  	s4 =	simm.s32 @!p0 $0x100;
	[sflag:s5] =	ssyncadd.s32 @!p0 $0xFFFFC180;
	s5 =	simm.s32 @!p0 $0x7  }
0x54: {  	[spmem:s2] =	stream.indirect.scatter.add.f32 @!p0 [tilespmem:s10], [sflag:$0x7], $0x80, s4, s7, $0xb8;
	[tilespmem:$0x12680] =	vst v63  }
0x55: {  	s8 =	simm.s32 $0x180;
	s20 =	sadd.s32 $0x1F40, s13;
	_ =	swait.ge @!p0 [sflag:s5], $0x3E80  }
0x56: {  	s29 =	sadd.s32 $0x1F40, s14;
	p1 =	por $0x0, $0x0;
	[sflag:s5] =	ssyncset.done @!p0 $0x0  }
0x57: {  	s4 =	simm.s32 $0x800;
	s7 =	simm.s32 $0x1000;
	[sflag:s5] =	ssyncadd.s32 @!p0 $0xFFFFC180  }
0x58: {  	[tilespmem:s10], [sflag:$0x3] =	stream.linear.gather @!p0 [hbm4b:s13+s6], $0x3E80, $0x38;
	[tilespmem:$0x12680] =	vst v63  }
0x59: {  	s5 =	sadd.s32 $0x1F40, s15;
	s6 =	sadd.s32 $0x1F40, s12;
	_ =	swait.ge [sflag:s28], $0x3E80  }
.LBB2_4:
0x5a: {  	s21 =	simm.s32 @!p1 $0x8;
	[sflag:s28] =	ssyncset.done $0x0  }
0x5b: {  	s11 =	smov.u32 s7;
	s7 =	sadd.s32 $0x800, s7;
	s10 =	smov.u32 s20  }
0x5c: {  	p0 =	sne.s32 s7, $0x3000;
	[sflag:s28] =	ssyncadd.s32 $0xFFFFC180  }
0x5d: {  	[spmem:s2] =	stream.indirect.scatter.add.f32 [tilespmem:s19], [sflag:$0x8], $0x80, s8, s24, $0xb8;
	[tilespmem:$0x12680] =	vst v63  }
0x5e: {  	_ =	swait.ge @!p1 [sflag:s21], $0x3E80  }
0x5f: {  	s22 =	simm.s32 @!p1 $0xC800;
	s8 =	simm.s32 @!p1 $0x0;
	[sflag:s21] =	ssyncset.done @!p1 $0x0  }
0x60: {  	[sflag:s21] =	ssyncadd.s32 @!p1 $0xFFFFC180  }
0x61: {  	[tilespmem:s22], [sflag:$0x4] =	stream.linear.gather @!p1 [hbm4b:s6+s8], $0x3E80, $0x38;
	[tilespmem:$0x12680] =	vst v63  }
0x62: {  	_ =	swait.ge [sflag:s23], $0x3E80  }
0x63: {  	s21 =	sshra.s32 s4, $0x2;
	[sflag:s23] =	ssyncset.done $0x0  }
0x64: {  	s8 =	sadd.s32 $0x180, s21;
	[sflag:s23] =	ssyncadd.s32 $0xFFFFC180  }
0x65: {  	[spmem:s2] =	stream.indirect.scatter.add.f32 [tilespmem:s16], [sflag:$0x5], $0x80, s21, s24, $0xb8;
	[tilespmem:$0x12680] =	vst v63  }
0x66: {  	_ =	swait.ge [sflag:s25], $0x3E80  }
0x67: {  	[sflag:s25] =	ssyncset.done $0x0  }
0x68: {  	[sflag:s25] =	ssyncadd.s32 $0xFFFFC180  }
0x69: {  	[tilespmem:s16], [sflag:$0x1] =	stream.linear.gather [hbm4b:s5+s3], $0x3E80, $0x38;
	[tilespmem:$0x12680] =	vst v63  }
0x6a: {  	_ =	swait.ge [sflag:s26], $0x3E80  }
0x6b: {  	p1 =	seq.s32 s4, $0x2800;
	s21 =	sadd.s32 $0x80, s21;
	[sflag:s26] =	ssyncset.done $0x0  }
0x6c: {  	s22 =	simm.s32 @p1 $0x3;
	s30 =	sshra.s32 @p1 s4, $0x2;
	[sflag:s26] =	ssyncadd.s32 $0xFFFFC180  }
0x6d: {  	[spmem:s2] =	stream.indirect.scatter.add.f32 [tilespmem:s17], [sflag:$0x6], $0x80, s21, s24, $0xb8;
	[tilespmem:$0x12680] =	vst v63  }
0x6e: {  	s4 =	sshra.s32 @!p1 s4, $0x2;
	s21 =	sadd.s32 @p1 $0x100, s30;
	_ =	swait.ge @p1 [sflag:s22], $0x3E80  }
0x6f: {  	s31 =	simm.s32 @p1 $0x8980;
	s30 =	simm.s32 @p1 $0x7D;
	[sflag:s22] =	ssyncset.done @p1 $0x0  }
0x70: {  	s0 =	sadd.s32 @!p1 $0x100, s4;
	[sflag:s22] =	ssyncadd.s32 @p1 $0xFFFFC180;
	s22 =	simm.s32 @!p1 $0x6  }
0x71: {  	[spmem:s2] =	stream.indirect.scatter.add.f32 @p1 [tilespmem:s31], [sflag:$0x7], $0x80, s21, s30, $0xb8;
	[tilespmem:$0x12680] =	vst v63  }
0x72: {  	s4 =	smov.u32 s11;
	_ =	swait.ge @!p1 [sflag:s22], $0x3E80  }
0x73: {  	s11 =	simm.s32 @!p1 $0x0;
	s21 =	simm.s32 @!p1 $0x4B00;
	[sflag:s22] =	ssyncset.done @!p1 $0x0  }
0x74: {  	[sflag:s22] =	ssyncadd.s32 @!p1 $0xFFFFC180;
	s22 =	simm.s32 @!p1 $0x3  }
0x75: {  	[tilespmem:s21], [sflag:$0x2] =	stream.linear.gather @!p1 [hbm4b:s29+s11], $0x3E80, $0x38;
	[tilespmem:$0x12680] =	vst v63  }
0x76: {  	_ =	swait.ge @!p1 [sflag:s22], $0x3E80  }
0x77: {  	s30 =	simm.s32 @!p1 $0x8980;
	s21 =	simm.s32 @!p1 $0x7D;
	[sflag:s22] =	ssyncset.done @!p1 $0x0  }
0x78: {  	[sflag:s22] =	ssyncadd.s32 @!p1 $0xFFFFC180;
	s22 =	simm.s32 @!p1 $0x7  }
0x79: {  	[spmem:s2] =	stream.indirect.scatter.add.f32 @!p1 [tilespmem:s30], [sflag:$0x7], $0x80, s0, s21, $0xb8;
	[tilespmem:$0x12680] =	vst v63  }
.Ltmp1:
0x7a: {  	_ =	swait.ge @!p1 [sflag:s22], $0x3E80;
	(pc) =	sbr.rel @p0 .LBB2_4-.Ltmp1, $4  }
0x7b: {  	s5 =	sadd.s32 $0x1F40, s5;
	[sflag:s22] =	ssyncset.done @!p1 $0x0  }
0x7c: {  	s20 =	sadd.s32 $0x1F40, s20;
	s29 =	sadd.s32 $0x1F40, s29;
	[sflag:s22] =	ssyncadd.s32 @!p1 $0xFFFFC180  }
0x7d: {  	[tilespmem:s30], [sflag:$0x3] =	stream.linear.gather @!p1 [hbm4b:s10+s11], $0x3E80, $0x38;
	[tilespmem:$0x12680] =	vst v63  }
0x7e: {  	s6 =	sadd.s32 $0x1F40, s6;
	p1 =	seq.s32 s4, $0x0;
	_ =	swait.ge [sflag:s28], $0x3E80  }
0x7f: {  	[sflag:s28] =	ssyncset.done $0x0  }
0x80: {  	s0 =	simm.s32 @!p1 $0x8;
	[sflag:s28] =	ssyncadd.s32 $0xFFFFC180  }
0x81: {  	[spmem:s2] =	stream.indirect.scatter.add.f32 [tilespmem:s19], [sflag:$0x8], $0x80, s8, s24, $0xb8;
	[tilespmem:$0x12680] =	vst v63  }
0x82: {  	_ =	swait.ge @!p1 [sflag:s0], $0x3E80  }
0x83: {  	[sflag:s0] =	ssyncset.done @!p1 $0x0  }
0x84: {  	s7 =	simm.s32 @!p1 $0x0;
	[sflag:s0] =	ssyncadd.s32 @!p1 $0xFFFFC180;
	s0 =	simm.s32 @!p1 $0xC800  }
0x85: {  	[tilespmem:s0], [sflag:$0x4] =	stream.linear.gather @!p1 [hbm4b:s6+s7], $0x3E80, $0x38;
	[tilespmem:$0x12680] =	vst v63  }
0x86: {  	_ =	swait.ge [sflag:s23], $0x3E80  }
0x87: {  	[sflag:s23] =	ssyncset.done $0x0  }
0x88: {  	s31 =	sshra.s32 s4, $0x2;
	[sflag:s23] =	ssyncadd.s32 $0xFFFFC180  }
0x89: {  	[spmem:s2] =	stream.indirect.scatter.add.f32 [tilespmem:s16], [sflag:$0x5], $0x80, s31, s24, $0xb8;
	[tilespmem:$0x12680] =	vst v63  }
0x8a: {  	_ =	swait.ge [sflag:s25], $0x3E80  }
0x8b: {  	[sflag:s25] =	ssyncset.done $0x0  }
0x8c: {  	[sflag:s25] =	ssyncadd.s32 $0xFFFFC180  }
0x8d: {  	[tilespmem:s16], [sflag:$0x1] =	stream.linear.gather [hbm4b:s5+s3], $0x3E80, $0x38;
	[tilespmem:$0x12680] =	vst v63  }
0x8e: {  	_ =	swait.ge [sflag:s26], $0x3E80  }
0x8f: {  	p0 =	seq.s32 s4, $0x2800;
	[sflag:s26] =	ssyncset.done $0x0  }
0x90: {  	s8 =	sadd.s32 $0x80, s31;
	s6 =	simm.s32 @p0 $0x3;
	[sflag:s26] =	ssyncadd.s32 $0xFFFFC180  }
0x91: {  	[spmem:s2] =	stream.indirect.scatter.add.f32 [tilespmem:s17], [sflag:$0x6], $0x80, s8, s24, $0xb8;
	[tilespmem:$0x12680] =	vst v63  }
0x92: {  	_ =	swait.ge @p0 [sflag:s6], $0x3E80  }
0x93: {  	s7 =	simm.s32 @p0 $0x7D;
	s5 =	sshra.s32 @p0 s4, $0x2;
	[sflag:s6] =	ssyncset.done @p0 $0x0  }
0x94: {  	s5 =	sadd.s32 @p0 $0x100, s5;
	[sflag:s6] =	ssyncadd.s32 @p0 $0xFFFFC180;
	s6 =	simm.s32 @p0 $0x8980  }
0x95: {  	[spmem:s2] =	stream.indirect.scatter.add.f32 @p0 [tilespmem:s6], [sflag:$0x7], $0x80, s5, s7, $0xb8;
	[tilespmem:$0x12680] =	vst v63  }
0x96: {  	s5 =	simm.s32 @!p0 $0x6  }
0x97: {  	_ =	swait.ge @!p0 [sflag:s5], $0x3E80  }
0x98: {  	[sflag:s5] =	ssyncset.done @!p0 $0x0  }
0x99: {  	s6 =	simm.s32 @!p0 $0x0;
	[sflag:s5] =	ssyncadd.s32 @!p0 $0xFFFFC180;
	s5 =	simm.s32 @!p0 $0x4B00  }
0x9a: {  	[tilespmem:s5], [sflag:$0x2] =	stream.linear.gather @!p0 [hbm4b:s29+s6], $0x3E80, $0x38;
	[tilespmem:$0x12680] =	vst v63  }
0x9b: {  	s5 =	simm.s32 @!p0 $0x3  }
0x9c: {  	s4 =	sshra.s32 @!p0 s4, $0x2;
	_ =	swait.ge @!p0 [sflag:s5], $0x3E80  }
0x9d: {  	s4 =	sadd.s32 @!p0 $0x100, s4;
	[sflag:s5] =	ssyncset.done @!p0 $0x0  }
0x9e: {  	s7 =	simm.s32 @!p0 $0x7D;
	[sflag:s5] =	ssyncadd.s32 @!p0 $0xFFFFC180;
	s5 =	simm.s32 @!p0 $0x8980  }
0x9f: {  	[spmem:s2] =	stream.indirect.scatter.add.f32 @!p0 [tilespmem:s5], [sflag:$0x7], $0x80, s4, s7, $0xb8;
	[tilespmem:$0x12680] =	vst v63  }
0xa0: {  	s4 =	simm.s32 @!p0 $0x7  }
0xa1: {  	_ =	swait.ge @!p0 [sflag:s4], $0x3E80  }
0xa2: {  	[sflag:s4] =	ssyncset.done @!p0 $0x0  }
0xa3: {  	[sflag:s4] =	ssyncadd.s32 @!p0 $0xFFFFC180  }
0xa4: {  	[tilespmem:s5], [sflag:$0x3] =	stream.linear.gather @!p0 [hbm4b:s20+s6], $0x3E80, $0x38;
	[tilespmem:$0x12680] =	vst v63  }
0xa5: {  	_ =	swait.ge [sflag:s28], $0x3E80  }
0xa6: {  	[sflag:s28] =	ssyncset.done $0x0  }
0xa7: {  	s0 =	sadd.s32 $0x180, s31;
	[sflag:s28] =	ssyncadd.s32 $0xFFFFC180  }
0xa8: {  	[spmem:s2] =	stream.indirect.scatter.add.f32 [tilespmem:s19], [sflag:$0x8], $0x80, s0, s24, $0xb8;
	[tilespmem:$0x12680] =	vst v63  }
0xa9: {  	_ =	swait.ge [sflag:s23], $0x3E80  }
0xaa: {  	[sflag:s23] =	ssyncset.done $0x0  }
0xab: {  	s10 =	simm.s32 $0xC00;
	s11 =	simm.s32 $0x6;
	[sflag:s23] =	ssyncadd.s32 $0xFFFFC180  }
0xac: {  	[spmem:s2] =	stream.indirect.scatter.add.f32 [tilespmem:s16], [sflag:$0x5], $0x80, s10, s24, $0xb8;
	[tilespmem:$0x12680] =	vst v63  }
0xad: {  	_ =	swait.ge [sflag:s11], $0x3E80  }
0xae: {  	[sflag:s11] =	ssyncset.done $0x0  }
0xaf: {  	s20 =	simm.s32 $0x7;
	[sflag:s11] =	ssyncadd.s32 $0xFFFFC180  }
0xb0: {  	_ =	swait.ge [sflag:s20], $0x3E80  }
0xb1: {  	[sflag:s20] =	ssyncset.done $0x0  }
0xb2: {  	s21 =	simm.s32 $0x8;
	[sflag:s20] =	ssyncadd.s32 $0xFFFFC180  }
0xb3: {  	_ =	swait.ge [sflag:s21], $0x3E80  }
0xb4: {  	[sflag:s21] =	ssyncset.done $0x0  }
0xb5: {  	[sflag:s21] =	ssyncadd.s32 $0xFFFFC180  }
0xb6: {  	_ =	swait.ge [sflag:s25], $0x3E80  }
0xb7: {  	[sflag:s25] =	ssyncset.done $0x0  }
0xb8: {  	s22 =	stileid.u32;
	[sflag:s25] =	ssyncadd.s32 $0xFFFFC180  }
0xb9: {  	s0 =	sshll.u32 s22, $0x6;
	[bflag:$0x0] =	sbarrier.arrive $0xFFFF  }
0xba: {  	s29 =	sshrl.u32 s9, $0x3;
	s0 =	sor.u32 $0x1C0B, s0;
	s30 =	rddreg [dreg:$0x9]  }
0xbb: {  	[hbm:s30], [sflag:s0] =	dma.local [spmem:s29], $0x200  }
0xbc: {  	_ =	swait.ge [sflag:s1], $0x200  }
0xbd: {  	s18 =	sadd.s32 $0x1, s18;
	s31 =	rddreg [dreg:$0xa]  }
0xbe: {  	p0 =	sne.s32 s18, s31  }
.Ltmp2:
0xbf: {  	_ = 	snop;
	(pc) =	sbr.rel @p0 .LBB2_1-.Ltmp2, $3  }
0xc0: {  	_ =	sdelay $0x1  }
0xc1: {  	[sflag:s1] =	ssyncset.done $0x0  }
0xc2: {  	[sflag:s1] =	ssyncadd.s32 $0xFFFFFE00  }
0xc3: {  	_ =	sfence.sel $0x180000  }
0xc4: {  	[bflag:$0x0] =	sbarrier.arrive $0xFFFF  }
0xc5: {  	_ =	strace $0x90000047  }
0xc6: {  	s0 =	stileid.u32;
	[bflag:$0x2] =	sbarrier.arrive $0xFFFF  }
0xc7: {  	p0 =	sne.s32 s0, $0x0;
	s0 =	rddreg [dreg:$0x3]  }
0xc8: {  	s0 =	sadd.s32 @!p0 $0x100000, s0  }
0xc9: {  	[sflag:s0] =	ssyncadd.tile.s32 @!p0 $0x1;
	_ =	shalt  }
.Lfunc_end2:
_tile_overlayer_lowered:
.L_overlay_start_2:
0xca: {  	(tag) =	ssettag $0x2  }
0xcb: {  	s0 =	rddreg [dreg:$0x0];
	s2 =	stileid.u32  }
0xcc: {  	s1 =	rddreg [dreg:$0x1];
	p0 =	sne.s32 s2, $0x0  }
0xcd: {  	s3 =	rddreg [dreg:$0x2];
	[bflag:$0x3] =	sbarrier.arrive $0xFFFF;
	s2 =	simm.s32 @!p0 $0x1C0B  }
0xce: {  	[timem:s3], [sflag:s2] =	dma.local @!p0 [hbm:s0], s1  }
0xcf: {  	s0 =	simm.s32 @!p0 $0xB  }
0xd0: {  	_ =	swait.ge @!p0 [sflag:s0], s1  }
0xd1: {  	s1 =	ssub.s32 @!p0 $0x0, s1;
	[sflag:s0] =	ssyncset.done @!p0 $0x0  }
0xd2: {  	[sflag:s0] =	ssyncadd.s32 @!p0 s1  }
0xd3: {  	[bflag:$0x3] =	sbarrier.arrive $0xFFFF  }
0xd4: {  	_ =	shalt  }

</sc_bundles>
